<compile_context>
chip_gen: v7x
topology: tpu7x:2x2x1
jax: 0.10.2.dev20260603
libtpu: 0.0.44.dev20260713+nightly
codegen_flags: <defaults>
</compile_context>

<pallas_src>
import functools

import jax
import jax.numpy as jnp
from jax import lax
from jax.experimental import pallas as pl
from jax.experimental.pallas import tpu as pltpu
from jax.experimental.pallas import tpu_sc as plsc

_K = 1024
_RB = 8
_NC = 2
_NS = 16
_NW = _NC * _NS


def _pooled(x, lab, ea1d, eb1d):
    B, C, H, W = x.shape
    E = ea1d.shape[0] // B
    groups = _NW // B
    cpw = C // groups
    nch = H // _RB
    mesh = plsc.VectorSubcoreMesh(core_axis_name="c", subcore_axis_name="s")

    @functools.partial(
        pl.kernel,
        out_type=(
            jax.ShapeDtypeStruct((B * C * E,), jnp.float32),
            jax.ShapeDtypeStruct((B * C * E,), jnp.float32),
        ),
        mesh=mesh,
        compiler_params=pltpu.CompilerParams(needs_layout_passes=False),
        scratch_types=[
            pltpu.VMEM(((cpw + 1) * _K,), jnp.float32),
            pltpu.VMEM((_RB, W), jnp.int32),
            pltpu.VMEM((_RB, W), jnp.int32),
            pltpu.VMEM((cpw, _RB, W), jnp.float32),
            pltpu.VMEM((cpw, _RB, W), jnp.float32),
            pltpu.VMEM((E,), jnp.int32),
            pltpu.VMEM((E,), jnp.int32),
            pltpu.VMEM((cpw * E,), jnp.float32),
            pltpu.VMEM((cpw * E,), jnp.float32),
            pltpu.SemaphoreType.DMA,
            pltpu.SemaphoreType.DMA,
        ],
    )
    def run(x_hbm, lab_hbm, ea_hbm, eb_hbm, x0_hbm, x1_hbm,
            sums_v, lab0, lab1, xv0, xv1, ea_v, eb_v, x0_v, x1_v,
            sem0, sem1):
        wid = lax.axis_index("s") * _NC + lax.axis_index("c")
        b = wid % B
        c0 = (wid // B) * cpw
        cnt_base = cpw * _K
        labs = (lab0, lab1)
        xvs = (xv0, xv1)
        sems = (sem0, sem1)

        def copies(ch, par):
            h0 = ch * _RB
            return (
                pltpu.make_async_copy(
                    lab_hbm.at[b, 0, pl.ds(h0, _RB), :], labs[par], sems[par]),
                pltpu.make_async_copy(
                    x_hbm.at[b, pl.ds(c0, cpw), pl.ds(h0, _RB), :],
                    xvs[par], sems[par]),
            )

        zero = jnp.zeros((16,), jnp.float32)

        @pl.loop(0, (cpw + 1) * _K // 16)
        def _zero(i):
            sums_v[pl.ds(i * 16, 16)] = zero

        ones = jnp.ones((16,), jnp.float32)
        cgrp = W // 16

        for cp in copies(0, 0):
            cp.start()

        @pl.loop(0, nch, step=2)
        def _chunk(ch2):
            for par in range(2):
                ch = ch2 + par
                for cp in copies(ch, par):
                    cp.wait()

                @pl.when(ch + 1 < nch)
                def _pref():
                    for cp in copies(ch + 1, 1 - par):
                        cp.start()

                lab_v = labs[par]
                xv = xvs[par]

                def scat(labv, vals):
                    plsc.addupdate_scatter(sums_v, [labv + cnt_base], ones)
                    for j in range(cpw):
                        plsc.addupdate_scatter(
                            sums_v, [labv + (j * _K)], vals[j])

                @pl.loop(0, _RB)
                def _row(r):
                    def load_grp(gi):
                        i16 = gi * 16
                        labv = lab_v[r, pl.ds(i16, 16)]
                        vals = tuple(
                            xv[j, r, pl.ds(i16, 16)] for j in range(cpw))
                        return (labv, vals)

                    @plsc.parallel_loop(1, cgrp, unroll=2,
                                        carry=load_grp(0))
                    def _grp(gi, c):
                        nxt = load_grp(gi)
                        scat(c[0], c[1])
                        return nxt

                    scat(_grp[0], _grp[1])

        @pl.loop(0, _K // 16)
        def _means(i):
            k16 = i * 16
            r = 1.0 / sums_v[pl.ds(cnt_base + k16, 16)]
            for j in range(cpw):
                sums_v[pl.ds(j * _K + k16, 16)] = (
                    sums_v[pl.ds(j * _K + k16, 16)] * r)

        pltpu.sync_copy(ea_hbm.at[pl.ds(b * E, E)], ea_v)
        pltpu.sync_copy(eb_hbm.at[pl.ds(b * E, E)], eb_v)

        @pl.loop(0, E // 16)
        def _edges(e):
            e16 = e * 16
            ia = ea_v[pl.ds(e16, 16)]
            ib = eb_v[pl.ds(e16, 16)]
            for j in range(cpw):
                x0_v[pl.ds(j * E + e16, 16)] = plsc.load_gather(
                    sums_v, [ia + j * _K])
                x1_v[pl.ds(j * E + e16, 16)] = plsc.load_gather(
                    sums_v, [ib + j * _K])

        obase = (b * C + c0) * E
        pltpu.sync_copy(x0_v, x0_hbm.at[pl.ds(obase, cpw * E)])
        pltpu.sync_copy(x1_v, x1_hbm.at[pl.ds(obase, cpw * E)])

    return run(x, lab, ea1d, eb1d)


def kernel(x, graphs, label_maps, edges_to_pool):
    B, C, H, W = x.shape
    E = edges_to_pool.shape[1]
    ea1d = edges_to_pool[:, :, 0].reshape(-1)
    eb1d = edges_to_pool[:, :, 1].reshape(-1)
    y = edges_to_pool[:, :, 2].astype(jnp.float32)

    x0f, x1f = _pooled(x, label_maps, ea1d, eb1d)
    x0 = x0f.reshape(B, C, E).transpose(0, 2, 1)
    x1 = x1f.reshape(B, C, E).transpose(0, 2, 1)
    return x0, x1, y

# --- scband reference (transcript-rebuilt; emitter-appended) ---
"""Pipeline reference for scband-superpixel-pooling-43404939494026 (READ-ONLY COPY).

The authoritative reference and input builder live on the scoring server;
editing this copy changes nothing except your own understanding.
"""

import jax, jax.numpy as jnp
import numpy as np

NUM_SEGMENTS = 1024


def setup_inputs(seed: int = 0) -> dict:
    key = jax.random.key(seed)
    k1, k2, k3 = jax.random.split(key, 3)
    B, C, H, W = 4, 96, 384, 384
    x = jax.random.normal(k1, (B, C, H, W), dtype=jnp.float32)
    graphs = jnp.zeros((B, 1), dtype=jnp.int32)  # dummy placeholder, unused when edges_to_pool is given
    label_maps = jax.random.randint(k2, (B, 1, H, W), 0, NUM_SEGMENTS, dtype=jnp.int32)
    edges_to_pool = jax.random.randint(k3, (B, 256, 3), 0, NUM_SEGMENTS, dtype=jnp.int32)
    return {"x": x, "graphs": graphs, "label_maps": label_maps, "edges_to_pool": edges_to_pool}


def reference(x, graphs, label_maps, edges_to_pool):
    # Faithful translation: for each image i and each provided edge (a, b, w),
    # X0 = mean of x[i,:,pixels with label==a], X1 = mean over label==b, Y = float(w).
    # The masked mean over equal-label pixels equals a segment mean, computed here
    # with segment_sum (sums and counts) followed by gathers at edge endpoints.
    B, C, H, W = x.shape
    xf = x.reshape(B, C, H * W)
    labels = label_maps.reshape(B, H * W)

    def per_image(xb, lb, eb):
        sums = jax.ops.segment_sum(xb.T, lb, num_segments=NUM_SEGMENTS)  # [K, C]
        counts = jax.ops.segment_sum(jnp.ones((lb.shape[0],), jnp.float32), lb, num_segments=NUM_SEGMENTS)  # [K]
        means = sums / counts[:, None]  # [K, C]
        x0 = jnp.take(means, eb[:, 0], axis=0)  # [n_samples, C]
        x1 = jnp.take(means, eb[:, 1], axis=0)  # [n_samples, C]
        y = eb[:, 2].astype(jnp.float32)        # [n_samples]
        return x0, x1, y

    x0, x1, y = jax.vmap(per_image)(xf, labels, edges_to_pool)
    return x0, x1, y

if __name__ == "__main__":
    import jax
    _d = setup_inputs()
    print(jax.jit(kernel)(*tuple(_d.values())))

</pallas_src>

<mosaic_0001>
#map = affine_map<(d0, d1) -> (0, 0, 0, 0)>
#map1 = affine_map<(d0, d1) -> (0)>
module attributes {stable_mosaic.version = 14 : i64} {
  func.func @run(%arg0: i32, %arg1: i32, %arg2: memref<4x96x384x384xf32, #tpu.memory_space<hbm>>, %arg3: memref<4x1x384x384xi32, #tpu.memory_space<hbm>>, %arg4: memref<1024xi32, #tpu.memory_space<hbm>>, %arg5: memref<1024xi32, #tpu.memory_space<hbm>>, %arg6: memref<98304xf32, #tpu.memory_space<hbm>>, %arg7: memref<98304xf32, #tpu.memory_space<hbm>>, %arg8: memref<13312xf32, #tpu.memory_space<vmem>>, %arg9: memref<8x384xi32, #tpu.memory_space<vmem>>, %arg10: memref<8x384xi32, #tpu.memory_space<vmem>>, %arg11: memref<12x8x384xf32, #tpu.memory_space<vmem>>, %arg12: memref<12x8x384xf32, #tpu.memory_space<vmem>>, %arg13: memref<256xi32, #tpu.memory_space<vmem>>, %arg14: memref<256xi32, #tpu.memory_space<vmem>>, %arg15: memref<3072xf32, #tpu.memory_space<vmem>>, %arg16: memref<3072xf32, #tpu.memory_space<vmem>>, %arg17: memref<!tpu.dma_semaphore, #tpu.memory_space<semaphore_mem>>, %arg18: memref<!tpu.dma_semaphore, #tpu.memory_space<semaphore_mem>>) attributes {dimension_semantics = [#tpu.dimension_semantics<core_parallel>, #tpu.dimension_semantics<subcore_parallel>], iteration_bounds = array<i64: 2, 16>, scalar_prefetch = 0 : i64, scratch_operands = 11 : i64, tpu.core_type = #tpu.core_type<sc_vector_subcore>, window_params = [{transform_indices = #map}, {transform_indices = #map}, {transform_indices = #map1}, {transform_indices = #map1}, {transform_indices = #map1}, {transform_indices = #map1}]} {
    %mul3A = arith.constant 2 : i32
    %mul3A_0 = arith.muli %arg1, %mul3A : i32
    %add3A = arith.addi %mul3A_0, %arg0 : i32
    %jit3A = arith.constant 4 : i32
    %eq3A = arith.constant 0 : i32
    %eq3A_1 = arith.cmpi eq, %jit3A, %eq3A : i32
    %jit3A_2 = arith.constant 1 : i32
    %select_n3A = arith.select %eq3A_1, %jit3A_2, %jit3A : i32
    %rem3A = arith.remsi %add3A, %select_n3A : i32
    %ne3A = arith.constant 0 : i32
    %ne3A_3 = arith.cmpi ne, %rem3A, %ne3A : i32
    %lt3A = arith.constant 0 : i32
    %lt3A_4 = arith.cmpi slt, %rem3A, %lt3A : i32
    %lt3A_5 = arith.constant 0 : i32
    %lt3A_6 = arith.cmpi slt, %select_n3A, %lt3A_5 : i32
    %ne3A_7 = arith.xori %lt3A_4, %lt3A_6 : i1
    %and3A = arith.andi %ne3A_7, %ne3A_3 : i1
    %add3A_8 = arith.addi %rem3A, %select_n3A : i32
    %select_n3A_9 = arith.select %and3A, %add3A_8, %rem3A : i32
    %jit3A_10 = arith.constant 4 : i32
    %div3A = arith.divsi %add3A, %jit3A_10 : i32
    %sign3A = arith.constant 0 : i32
    %sign3A_11 = arith.cmpi sgt, %add3A, %sign3A : i32
    %sign3A_12 = arith.extui %sign3A_11 : i1 to i32
    %sign3A_13 = arith.constant 0 : i32
    %sign3A_14 = arith.cmpi slt, %add3A, %sign3A_13 : i32
    %sign3A_15 = arith.extui %sign3A_14 : i1 to i32
    %sign3A_16 = arith.subi %sign3A_12, %sign3A_15 : i32
    %sign3A_17 = arith.constant 0 : i32
    %sign3A_18 = arith.cmpi sgt, %jit3A_10, %sign3A_17 : i32
    %sign3A_19 = arith.extui %sign3A_18 : i1 to i32
    %sign3A_20 = arith.constant 0 : i32
    %sign3A_21 = arith.cmpi slt, %jit3A_10, %sign3A_20 : i32
    %sign3A_22 = arith.extui %sign3A_21 : i1 to i32
    %sign3A_23 = arith.subi %sign3A_19, %sign3A_22 : i32
    %ne3A_24 = arith.cmpi ne, %sign3A_16, %sign3A_23 : i32
    %rem3A_25 = arith.remsi %add3A, %jit3A_10 : i32
    %ne3A_26 = arith.constant 0 : i32
    %ne3A_27 = arith.cmpi ne, %rem3A_25, %ne3A_26 : i32
    %and3A_28 = arith.andi %ne3A_24, %ne3A_27 : i1
    %sub3A = arith.constant 1 : i32
    %sub3A_29 = arith.subi %div3A, %sub3A : i32
    %select_n3A_30 = arith.select %and3A_28, %sub3A_29, %div3A : i32
    %mul3A_31 = arith.constant 12 : i32
    %mul3A_32 = arith.muli %select_n3A_30, %mul3A_31 : i32
    %broadcast_in_dim3A = arith.constant 0.000000e+00 : f32
    %broadcast_in_dim3A_33 = vector.broadcast %broadcast_in_dim3A : f32 to vector<16xf32>
    %scan3A = arith.constant 0 : i32
    %scan3A_34 = arith.constant 832 : i32
    %scan3A_35 = arith.addi %scan3A, %scan3A_34 : i32
    %scan3A_36 = arith.constant 1 : i32
    scf.for %scan3A_80 = %scan3A to %scan3A_35 step %scan3A_36  : i32 {
      %mul3A_81 = arith.constant 1 : i32
      %mul3A_82 = arith.muli %scan3A_80, %mul3A_81 : i32
      %add3A_83 = arith.constant 0 : i32
      %add3A_84 = arith.addi %add3A_83, %mul3A_82 : i32
      %mul3A_85 = arith.constant 16 : i32
      %mul3A_86 = arith.muli %add3A_84, %mul3A_85 : i32
      %swap3A = arith.index_cast %mul3A_86 : i32 to index
      %swap3A_87 = tpu.vector_load %arg8[%swap3A] {strides = array<i32>} : memref<13312xf32, #tpu.memory_space<vmem>>, vector<16xf32>,
      tpu.vector_store %arg8[%swap3A], %broadcast_in_dim3A_33 {strides = array<i32>} : memref<13312xf32, #tpu.memory_space<vmem>>, vector<16xf32>,
    }
    %scan3A_37 = arith.constant 832 : i32
    %broadcast_in_dim3A_38 = arith.constant 1.000000e+00 : f32
    %broadcast_in_dim3A_39 = vector.broadcast %broadcast_in_dim3A_38 : f32 to vector<16xf32>
    %dma_start3A = arith.constant 0 : i32
    %dma_start3A_40 = arith.constant 0 : i32
    %dma_start3A_41 = arith.constant 0 : i32
    %dma_start3A_42 = tpu.memref_slice %arg3[%select_n3A_9, %dma_start3A, %dma_start3A_40, %dma_start3A_41] : memref<4x1x384x384xi32, #tpu.memory_space<hbm>> -> memref<1x1x8x384xi32, #tpu.memory_space<hbm>>
    %dma_start3A_43 = tpu.memref_squeeze %dma_start3A_42 : memref<1x1x8x384xi32, #tpu.memory_space<hbm>> -> memref<8x384xi32, #tpu.memory_space<hbm>>
    %dma_start3A_44 = arith.constant 0 : i32
    %dma_start3A_45 = arith.constant 0 : i32
    %dma_start3A_46 = tpu.memref_slice %arg3[%select_n3A_9, %dma_start3A, %dma_start3A_44, %dma_start3A_45] : memref<4x1x384x384xi32, #tpu.memory_space<hbm>> -> memref<1x1x8x384xi32, #tpu.memory_space<hbm>>
    %dma_start3A_47 = tpu.memref_squeeze %dma_start3A_46 : memref<1x1x8x384xi32, #tpu.memory_space<hbm>> -> memref<8x384xi32, #tpu.memory_space<hbm>>
    tpu.enqueue_dma source(%dma_start3A_47 : memref<8x384xi32, #tpu.memory_space<hbm>>) target(%arg9 : memref<8x384xi32, #tpu.memory_space<vmem>>) target_semaphore(%arg17 : memref<!tpu.dma_semaphore, #tpu.memory_space<semaphore_mem>>)
    %dma_start3A_48 = arith.constant 0 : i32
    %dma_start3A_49 = arith.constant 0 : i32
    %dma_start3A_50 = tpu.memref_slice %arg2[%select_n3A_9, %mul3A_32, %dma_start3A_48, %dma_start3A_49] : memref<4x96x384x384xf32, #tpu.memory_space<hbm>> -> memref<1x12x8x384xf32, #tpu.memory_space<hbm>>
    %dma_start3A_51 = tpu.memref_squeeze %dma_start3A_50 : memref<1x12x8x384xf32, #tpu.memory_space<hbm>> -> memref<12x8x384xf32, #tpu.memory_space<hbm>>
    %dma_start3A_52 = arith.constant 0 : i32
    %dma_start3A_53 = arith.constant 0 : i32
    %dma_start3A_54 = tpu.memref_slice %arg2[%select_n3A_9, %mul3A_32, %dma_start3A_52, %dma_start3A_53] : memref<4x96x384x384xf32, #tpu.memory_space<hbm>> -> memref<1x12x8x384xf32, #tpu.memory_space<hbm>>
    %dma_start3A_55 = tpu.memref_squeeze %dma_start3A_54 : memref<1x12x8x384xf32, #tpu.memory_space<hbm>> -> memref<12x8x384xf32, #tpu.memory_space<hbm>>
    tpu.enqueue_dma source(%dma_start3A_55 : memref<12x8x384xf32, #tpu.memory_space<hbm>>) target(%arg11 : memref<12x8x384xf32, #tpu.memory_space<vmem>>) target_semaphore(%arg17 : memref<!tpu.dma_semaphore, #tpu.memory_space<semaphore_mem>>)
    %scan3A_56 = arith.constant 0 : i32
    %scan3A_57 = arith.constant 24 : i32
    %scan3A_58 = arith.addi %scan3A_56, %scan3A_57 : i32
    %scan3A_59 = arith.constant 1 : i32
    scf.for %scan3A_80 = %scan3A_56 to %scan3A_58 step %scan3A_59  : i32 {
      %mul3A_81 = arith.constant 2 : i32
      %mul3A_82 = arith.muli %scan3A_80, %mul3A_81 : i32
      %add3A_83 = arith.constant 0 : i32
      %add3A_84 = arith.addi %add3A_83, %mul3A_82 : i32
      %add3A_85 = arith.constant 0 : i32
      %add3A_86 = arith.addi %add3A_84, %add3A_85 : i32
      %mul3A_87 = arith.constant 8 : i32
      %mul3A_88 = arith.muli %add3A_86, %mul3A_87 : i32
      %dma_wait3A = arith.constant 0 : i32
      %dma_wait3A_89 = arith.constant 0 : i32
      %dma_wait3A_90 = tpu.memref_slice %arg3[%select_n3A_9, %dma_wait3A, %mul3A_88, %dma_wait3A_89] : memref<4x1x384x384xi32, #tpu.memory_space<hbm>> -> memref<1x1x8x384xi32, #tpu.memory_space<hbm>>
      %dma_wait3A_91 = tpu.memref_squeeze %dma_wait3A_90 : memref<1x1x8x384xi32, #tpu.memory_space<hbm>> -> memref<8x384xi32, #tpu.memory_space<hbm>>
      %dma_wait3A_92 = arith.constant 0 : i32
      %dma_wait3A_93 = tpu.memref_slice %arg3[%select_n3A_9, %dma_wait3A, %mul3A_88, %dma_wait3A_92] : memref<4x1x384x384xi32, #tpu.memory_space<hbm>> -> memref<1x1x8x384xi32, #tpu.memory_space<hbm>>
      %dma_wait3A_94 = tpu.memref_squeeze %dma_wait3A_93 : memref<1x1x8x384xi32, #tpu.memory_space<hbm>> -> memref<8x384xi32, #tpu.memory_space<hbm>>
      tpu.wait_dma2 semaphore(%arg17 : memref<!tpu.dma_semaphore, #tpu.memory_space<semaphore_mem>>) src(%dma_wait3A_94 : memref<8x384xi32, #tpu.memory_space<hbm>>) dst(%arg9 : memref<8x384xi32, #tpu.memory_space<vmem>>)
      %dma_wait3A_95 = arith.constant 0 : i32
      %dma_wait3A_96 = tpu.memref_slice %arg2[%select_n3A_9, %mul3A_32, %mul3A_88, %dma_wait3A_95] : memref<4x96x384x384xf32, #tpu.memory_space<hbm>> -> memref<1x12x8x384xf32, #tpu.memory_space<hbm>>
      %dma_wait3A_97 = tpu.memref_squeeze %dma_wait3A_96 : memref<1x12x8x384xf32, #tpu.memory_space<hbm>> -> memref<12x8x384xf32, #tpu.memory_space<hbm>>
      %dma_wait3A_98 = arith.constant 0 : i32
      %dma_wait3A_99 = tpu.memref_slice %arg2[%select_n3A_9, %mul3A_32, %mul3A_88, %dma_wait3A_98] : memref<4x96x384x384xf32, #tpu.memory_space<hbm>> -> memref<1x12x8x384xf32, #tpu.memory_space<hbm>>
      %dma_wait3A_100 = tpu.memref_squeeze %dma_wait3A_99 : memref<1x12x8x384xf32, #tpu.memory_space<hbm>> -> memref<12x8x384xf32, #tpu.memory_space<hbm>>
      tpu.wait_dma2 semaphore(%arg17 : memref<!tpu.dma_semaphore, #tpu.memory_space<semaphore_mem>>) src(%dma_wait3A_100 : memref<12x8x384xf32, #tpu.memory_space<hbm>>) dst(%arg11 : memref<12x8x384xf32, #tpu.memory_space<vmem>>)
      %add3A_101 = arith.constant 1 : i32
      %add3A_102 = arith.addi %add3A_86, %add3A_101 : i32
      %lt3A_103 = arith.constant 48 : i32
      %lt3A_104 = arith.cmpi slt, %add3A_102, %lt3A_103 : i32
      %convert_element_type3A = arith.extui %lt3A_104 : i1 to i32
      %cond3A = arith.constant 0 : i32
      %cond3A_105 = arith.cmpi ne, %convert_element_type3A, %cond3A : i32
      scf.if %cond3A_105 {
        %add3A_140 = arith.constant 1 : i32
        %add3A_141 = arith.addi %add3A_86, %add3A_140 : i32
        %mul3A_142 = arith.constant 8 : i32
        %mul3A_143 = arith.muli %add3A_141, %mul3A_142 : i32
        %dma_start3A_144 = arith.constant 0 : i32
        %dma_start3A_145 = arith.constant 0 : i32
        %dma_start3A_146 = tpu.memref_slice %arg3[%select_n3A_9, %dma_start3A_144, %mul3A_143, %dma_start3A_145] : memref<4x1x384x384xi32, #tpu.memory_space<hbm>> -> memref<1x1x8x384xi32, #tpu.memory_space<hbm>>
        %dma_start3A_147 = tpu.memref_squeeze %dma_start3A_146 : memref<1x1x8x384xi32, #tpu.memory_space<hbm>> -> memref<8x384xi32, #tpu.memory_space<hbm>>
        %dma_start3A_148 = arith.constant 0 : i32
        %dma_start3A_149 = tpu.memref_slice %arg3[%select_n3A_9, %dma_start3A_144, %mul3A_143, %dma_start3A_148] : memref<4x1x384x384xi32, #tpu.memory_space<hbm>> -> memref<1x1x8x384xi32, #tpu.memory_space<hbm>>
        %dma_start3A_150 = tpu.memref_squeeze %dma_start3A_149 : memref<1x1x8x384xi32, #tpu.memory_space<hbm>> -> memref<8x384xi32, #tpu.memory_space<hbm>>
        tpu.enqueue_dma source(%dma_start3A_150 : memref<8x384xi32, #tpu.memory_space<hbm>>) target(%arg10 : memref<8x384xi32, #tpu.memory_space<vmem>>) target_semaphore(%arg18 : memref<!tpu.dma_semaphore, #tpu.memory_space<semaphore_mem>>)
        %dma_start3A_151 = arith.constant 0 : i32
        %dma_start3A_152 = tpu.memref_slice %arg2[%select_n3A_9, %mul3A_32, %mul3A_143, %dma_start3A_151] : memref<4x96x384x384xf32, #tpu.memory_space<hbm>> -> memref<1x12x8x384xf32, #tpu.memory_space<hbm>>
        %dma_start3A_153 = tpu.memref_squeeze %dma_start3A_152 : memref<1x12x8x384xf32, #tpu.memory_space<hbm>> -> memref<12x8x384xf32, #tpu.memory_space<hbm>>
        %dma_start3A_154 = arith.constant 0 : i32
        %dma_start3A_155 = tpu.memref_slice %arg2[%select_n3A_9, %mul3A_32, %mul3A_143, %dma_start3A_154] : memref<4x96x384x384xf32, #tpu.memory_space<hbm>> -> memref<1x12x8x384xf32, #tpu.memory_space<hbm>>
        %dma_start3A_156 = tpu.memref_squeeze %dma_start3A_155 : memref<1x12x8x384xf32, #tpu.memory_space<hbm>> -> memref<12x8x384xf32, #tpu.memory_space<hbm>>
        tpu.enqueue_dma source(%dma_start3A_156 : memref<12x8x384xf32, #tpu.memory_space<hbm>>) target(%arg12 : memref<12x8x384xf32, #tpu.memory_space<vmem>>) target_semaphore(%arg18 : memref<!tpu.dma_semaphore, #tpu.memory_space<semaphore_mem>>)
      } else {
      }
      %scan3A_106 = arith.constant 0 : i32
      %scan3A_107 = arith.constant 8 : i32
      %scan3A_108 = arith.addi %scan3A_106, %scan3A_107 : i32
      %scan3A_109 = arith.constant 1 : i32
      scf.for %scan3A_140 = %scan3A_106 to %scan3A_108 step %scan3A_109  : i32 {
        %mul3A_141 = arith.constant 1 : i32
        %mul3A_142 = arith.muli %scan3A_140, %mul3A_141 : i32
        %add3A_143 = arith.constant 0 : i32
        %add3A_144 = arith.addi %add3A_143, %mul3A_142 : i32
        %get3A = arith.index_cast %add3A_144 : i32 to index
        %get3A_145 = arith.constant 0 : index
        %get3A_146 = tpu.vector_load %arg9[%get3A, %get3A_145] {strides = array<i32>} : memref<8x384xi32, #tpu.memory_space<vmem>>, vector<16xi32>,
        %get3A_147 = arith.constant 0 : i32
        %get3A_148 = arith.index_cast %get3A_147 : i32 to index
        %get3A_149 = arith.index_cast %add3A_144 : i32 to index
        %get3A_150 = arith.constant 0 : index
        %get3A_151 = tpu.vector_load %arg11[%get3A_148, %get3A_149, %get3A_150] {strides = array<i32>} : memref<12x8x384xf32, #tpu.memory_space<vmem>>, vector<16xf32>,
        %get3A_152 = arith.constant 1 : i32
        %get3A_153 = arith.index_cast %get3A_152 : i32 to index
        %get3A_154 = arith.index_cast %add3A_144 : i32 to index
        %get3A_155 = arith.constant 0 : index
        %get3A_156 = tpu.vector_load %arg11[%get3A_153, %get3A_154, %get3A_155] {strides = array<i32>} : memref<12x8x384xf32, #tpu.memory_space<vmem>>, vector<16xf32>,
        %get3A_157 = arith.constant 2 : i32
        %get3A_158 = arith.index_cast %get3A_157 : i32 to index
        %get3A_159 = arith.index_cast %add3A_144 : i32 to index
        %get3A_160 = arith.constant 0 : index
        %get3A_161 = tpu.vector_load %arg11[%get3A_158, %get3A_159, %get3A_160] {strides = array<i32>} : memref<12x8x384xf32, #tpu.memory_space<vmem>>, vector<16xf32>,
        %get3A_162 = arith.constant 3 : i32
        %get3A_163 = arith.index_cast %get3A_162 : i32 to index
        %get3A_164 = arith.index_cast %add3A_144 : i32 to index
        %get3A_165 = arith.constant 0 : index
        %get3A_166 = tpu.vector_load %arg11[%get3A_163, %get3A_164, %get3A_165] {strides = array<i32>} : memref<12x8x384xf32, #tpu.memory_space<vmem>>, vector<16xf32>,
        %get3A_167 = arith.constant 4 : i32
        %get3A_168 = arith.index_cast %get3A_167 : i32 to index
        %get3A_169 = arith.index_cast %add3A_144 : i32 to index
        %get3A_170 = arith.constant 0 : index
        %get3A_171 = tpu.vector_load %arg11[%get3A_168, %get3A_169, %get3A_170] {strides = array<i32>} : memref<12x8x384xf32, #tpu.memory_space<vmem>>, vector<16xf32>,
        %get3A_172 = arith.constant 5 : i32
        %get3A_173 = arith.index_cast %get3A_172 : i32 to index
        %get3A_174 = arith.index_cast %add3A_144 : i32 to index
        %get3A_175 = arith.constant 0 : index
        %get3A_176 = tpu.vector_load %arg11[%get3A_173, %get3A_174, %get3A_175] {strides = array<i32>} : memref<12x8x384xf32, #tpu.memory_space<vmem>>, vector<16xf32>,
        %get3A_177 = arith.constant 6 : i32
        %get3A_178 = arith.index_cast %get3A_177 : i32 to index
        %get3A_179 = arith.index_cast %add3A_144 : i32 to index
        %get3A_180 = arith.constant 0 : index
        %get3A_181 = tpu.vector_load %arg11[%get3A_178, %get3A_179, %get3A_180] {strides = array<i32>} : memref<12x8x384xf32, #tpu.memory_space<vmem>>, vector<16xf32>,
        %get3A_182 = arith.constant 7 : i32
        %get3A_183 = arith.index_cast %get3A_182 : i32 to index
        %get3A_184 = arith.index_cast %add3A_144 : i32 to index
        %get3A_185 = arith.constant 0 : index
        %get3A_186 = tpu.vector_load %arg11[%get3A_183, %get3A_184, %get3A_185] {strides = array<i32>} : memref<12x8x384xf32, #tpu.memory_space<vmem>>, vector<16xf32>,
        %get3A_187 = arith.constant 8 : i32
        %get3A_188 = arith.index_cast %get3A_187 : i32 to index
        %get3A_189 = arith.index_cast %add3A_144 : i32 to index
        %get3A_190 = arith.constant 0 : index
        %get3A_191 = tpu.vector_load %arg11[%get3A_188, %get3A_189, %get3A_190] {strides = array<i32>} : memref<12x8x384xf32, #tpu.memory_space<vmem>>, vector<16xf32>,
        %get3A_192 = arith.constant 9 : i32
        %get3A_193 = arith.index_cast %get3A_192 : i32 to index
        %get3A_194 = arith.index_cast %add3A_144 : i32 to index
        %get3A_195 = arith.constant 0 : index
        %get3A_196 = tpu.vector_load %arg11[%get3A_193, %get3A_194, %get3A_195] {strides = array<i32>} : memref<12x8x384xf32, #tpu.memory_space<vmem>>, vector<16xf32>,
        %get3A_197 = arith.constant 10 : i32
        %get3A_198 = arith.index_cast %get3A_197 : i32 to index
        %get3A_199 = arith.index_cast %add3A_144 : i32 to index
        %get3A_200 = arith.constant 0 : index
        %get3A_201 = tpu.vector_load %arg11[%get3A_198, %get3A_199, %get3A_200] {strides = array<i32>} : memref<12x8x384xf32, #tpu.memory_space<vmem>>, vector<16xf32>,
        %get3A_202 = arith.constant 11 : i32
        %get3A_203 = arith.index_cast %get3A_202 : i32 to index
        %get3A_204 = arith.index_cast %add3A_144 : i32 to index
        %get3A_205 = arith.constant 0 : index
        %get3A_206 = tpu.vector_load %arg11[%get3A_203, %get3A_204, %get3A_205] {strides = array<i32>} : memref<12x8x384xf32, #tpu.memory_space<vmem>>, vector<16xf32>,
        %parallel_loop3A = arith.constant 1 : i32
        %parallel_loop3A_207 = arith.constant 24 : i32
        %parallel_loop3A_208 = arith.constant 1 : i32
        %parallel_loop3A_209:13 = scf.for %parallel_loop3A_249 = %parallel_loop3A to %parallel_loop3A_207 step %parallel_loop3A_208 iter_args(%parallel_loop3A_250 = %get3A_146, %parallel_loop3A_251 = %get3A_151, %parallel_loop3A_252 = %get3A_156, %parallel_loop3A_253 = %get3A_161, %parallel_loop3A_254 = %get3A_166, %parallel_loop3A_255 = %get3A_171, %parallel_loop3A_256 = %get3A_176, %parallel_loop3A_257 = %get3A_181, %parallel_loop3A_258 = %get3A_186, %parallel_loop3A_259 = %get3A_191, %parallel_loop3A_260 = %get3A_196, %parallel_loop3A_261 = %get3A_201, %parallel_loop3A_262 = %get3A_206) -> (vector<16xi32>, vector<16xf32>, vector<16xf32>, vector<16xf32>, vector<16xf32>, vector<16xf32>, vector<16xf32>, vector<16xf32>, vector<16xf32>, vector<16xf32>, vector<16xf32>, vector<16xf32>, vector<16xf32>)  : i32 {
          %parallel_loop3A_263 = arith.constant 16 : i32
          %parallel_loop3A_264 = arith.muli %parallel_loop3A_249, %parallel_loop3A_263 : i32
          %parallel_loop3A_265 = arith.index_cast %add3A_144 : i32 to index
          %parallel_loop3A_266 = arith.index_cast %parallel_loop3A_264 : i32 to index
          %parallel_loop3A_267 = tpu.vector_load %arg9[%parallel_loop3A_265, %parallel_loop3A_266] {strides = array<i32>} : memref<8x384xi32, #tpu.memory_space<vmem>>, vector<16xi32>,
          %parallel_loop3A_268 = arith.constant 0 : i32
          %parallel_loop3A_269 = arith.index_cast %parallel_loop3A_268 : i32 to index
          %parallel_loop3A_270 = arith.index_cast %add3A_144 : i32 to index
          %parallel_loop3A_271 = arith.index_cast %parallel_loop3A_264 : i32 to index
          %parallel_loop3A_272 = tpu.vector_load %arg11[%parallel_loop3A_269, %parallel_loop3A_270, %parallel_loop3A_271] {strides = array<i32>} : memref<12x8x384xf32, #tpu.memory_space<vmem>>, vector<16xf32>,
          %parallel_loop3A_273 = arith.constant 1 : i32
          %parallel_loop3A_274 = arith.index_cast %parallel_loop3A_273 : i32 to index
          %parallel_loop3A_275 = arith.index_cast %add3A_144 : i32 to index
          %parallel_loop3A_276 = arith.index_cast %parallel_loop3A_264 : i32 to index
          %parallel_loop3A_277 = tpu.vector_load %arg11[%parallel_loop3A_274, %parallel_loop3A_275, %parallel_loop3A_276] {strides = array<i32>} : memref<12x8x384xf32, #tpu.memory_space<vmem>>, vector<16xf32>,
          %parallel_loop3A_278 = arith.constant 2 : i32
          %parallel_loop3A_279 = arith.index_cast %parallel_loop3A_278 : i32 to index
          %parallel_loop3A_280 = arith.index_cast %add3A_144 : i32 to index
          %parallel_loop3A_281 = arith.index_cast %parallel_loop3A_264 : i32 to index
          %parallel_loop3A_282 = tpu.vector_load %arg11[%parallel_loop3A_279, %parallel_loop3A_280, %parallel_loop3A_281] {strides = array<i32>} : memref<12x8x384xf32, #tpu.memory_space<vmem>>, vector<16xf32>,
          %parallel_loop3A_283 = arith.constant 3 : i32
          %parallel_loop3A_284 = arith.index_cast %parallel_loop3A_283 : i32 to index
          %parallel_loop3A_285 = arith.index_cast %add3A_144 : i32 to index
          %parallel_loop3A_286 = arith.index_cast %parallel_loop3A_264 : i32 to index
          %parallel_loop3A_287 = tpu.vector_load %arg11[%parallel_loop3A_284, %parallel_loop3A_285, %parallel_loop3A_286] {strides = array<i32>} : memref<12x8x384xf32, #tpu.memory_space<vmem>>, vector<16xf32>,
          %parallel_loop3A_288 = arith.constant 4 : i32
          %parallel_loop3A_289 = arith.index_cast %parallel_loop3A_288 : i32 to index
          %parallel_loop3A_290 = arith.index_cast %add3A_144 : i32 to index
          %parallel_loop3A_291 = arith.index_cast %parallel_loop3A_264 : i32 to index
          %parallel_loop3A_292 = tpu.vector_load %arg11[%parallel_loop3A_289, %parallel_loop3A_290, %parallel_loop3A_291] {strides = array<i32>} : memref<12x8x384xf32, #tpu.memory_space<vmem>>, vector<16xf32>,
          %parallel_loop3A_293 = arith.constant 5 : i32
          %parallel_loop3A_294 = arith.index_cast %parallel_loop3A_293 : i32 to index
          %parallel_loop3A_295 = arith.index_cast %add3A_144 : i32 to index
          %parallel_loop3A_296 = arith.index_cast %parallel_loop3A_264 : i32 to index
          %parallel_loop3A_297 = tpu.vector_load %arg11[%parallel_loop3A_294, %parallel_loop3A_295, %parallel_loop3A_296] {strides = array<i32>} : memref<12x8x384xf32, #tpu.memory_space<vmem>>, vector<16xf32>,
          %parallel_loop3A_298 = arith.constant 6 : i32
          %parallel_loop3A_299 = arith.index_cast %parallel_loop3A_298 : i32 to index
          %parallel_loop3A_300 = arith.index_cast %add3A_144 : i32 to index
          %parallel_loop3A_301 = arith.index_cast %parallel_loop3A_264 : i32 to index
          %parallel_loop3A_302 = tpu.vector_load %arg11[%parallel_loop3A_299, %parallel_loop3A_300, %parallel_loop3A_301] {strides = array<i32>} : memref<12x8x384xf32, #tpu.memory_space<vmem>>, vector<16xf32>,
          %parallel_loop3A_303 = arith.constant 7 : i32
          %parallel_loop3A_304 = arith.index_cast %parallel_loop3A_303 : i32 to index
          %parallel_loop3A_305 = arith.index_cast %add3A_144 : i32 to index
          %parallel_loop3A_306 = arith.index_cast %parallel_loop3A_264 : i32 to index
          %parallel_loop3A_307 = tpu.vector_load %arg11[%parallel_loop3A_304, %parallel_loop3A_305, %parallel_loop3A_306] {strides = array<i32>} : memref<12x8x384xf32, #tpu.memory_space<vmem>>, vector<16xf32>,
          %parallel_loop3A_308 = arith.constant 8 : i32
          %parallel_loop3A_309 = arith.index_cast %parallel_loop3A_308 : i32 to index
          %parallel_loop3A_310 = arith.index_cast %add3A_144 : i32 to index
          %parallel_loop3A_311 = arith.index_cast %parallel_loop3A_264 : i32 to index
          %parallel_loop3A_312 = tpu.vector_load %arg11[%parallel_loop3A_309, %parallel_loop3A_310, %parallel_loop3A_311] {strides = array<i32>} : memref<12x8x384xf32, #tpu.memory_space<vmem>>, vector<16xf32>,
          %parallel_loop3A_313 = arith.constant 9 : i32
          %parallel_loop3A_314 = arith.index_cast %parallel_loop3A_313 : i32 to index
          %parallel_loop3A_315 = arith.index_cast %add3A_144 : i32 to index
          %parallel_loop3A_316 = arith.index_cast %parallel_loop3A_264 : i32 to index
          %parallel_loop3A_317 = tpu.vector_load %arg11[%parallel_loop3A_314, %parallel_loop3A_315, %parallel_loop3A_316] {strides = array<i32>} : memref<12x8x384xf32, #tpu.memory_space<vmem>>, vector<16xf32>,
          %parallel_loop3A_318 = arith.constant 10 : i32
          %parallel_loop3A_319 = arith.index_cast %parallel_loop3A_318 : i32 to index
          %parallel_loop3A_320 = arith.index_cast %add3A_144 : i32 to index
          %parallel_loop3A_321 = arith.index_cast %parallel_loop3A_264 : i32 to index
          %parallel_loop3A_322 = tpu.vector_load %arg11[%parallel_loop3A_319, %parallel_loop3A_320, %parallel_loop3A_321] {strides = array<i32>} : memref<12x8x384xf32, #tpu.memory_space<vmem>>, vector<16xf32>,
          %parallel_loop3A_323 = arith.constant 11 : i32
          %parallel_loop3A_324 = arith.index_cast %parallel_loop3A_323 : i32 to index
          %parallel_loop3A_325 = arith.index_cast %add3A_144 : i32 to index
          %parallel_loop3A_326 = arith.index_cast %parallel_loop3A_264 : i32 to index
          %parallel_loop3A_327 = tpu.vector_load %arg11[%parallel_loop3A_324, %parallel_loop3A_325, %parallel_loop3A_326] {strides = array<i32>} : memref<12x8x384xf32, #tpu.memory_space<vmem>>, vector<16xf32>,
          %parallel_loop3A_328 = arith.constant 12288 : i32
          %parallel_loop3A_329 = vector.broadcast %parallel_loop3A_328 : i32 to vector<16xi32>
          %parallel_loop3A_330 = arith.addi %parallel_loop3A_250, %parallel_loop3A_329 : vector<16xi32>
          tpu.vector_store_idx %arg8[%parallel_loop3A_330], %broadcast_in_dim3A_39 {add = true} : memref<13312xf32, #tpu.memory_space<vmem>>[vector<16xi32>], vector<16xf32>,
          %parallel_loop3A_331 = arith.constant 0 : i32
          %parallel_loop3A_332 = vector.broadcast %parallel_loop3A_331 : i32 to vector<16xi32>
          %parallel_loop3A_333 = arith.addi %parallel_loop3A_250, %parallel_loop3A_332 : vector<16xi32>
          tpu.vector_store_idx %arg8[%parallel_loop3A_333], %parallel_loop3A_251 {add = true} : memref<13312xf32, #tpu.memory_space<vmem>>[vector<16xi32>], vector<16xf32>,
          %parallel_loop3A_334 = arith.constant 1024 : i32
          %parallel_loop3A_335 = vector.broadcast %parallel_loop3A_334 : i32 to vector<16xi32>
          %parallel_loop3A_336 = arith.addi %parallel_loop3A_250, %parallel_loop3A_335 : vector<16xi32>
          tpu.vector_store_idx %arg8[%parallel_loop3A_336], %parallel_loop3A_252 {add = true} : memref<13312xf32, #tpu.memory_space<vmem>>[vector<16xi32>], vector<16xf32>,
          %parallel_loop3A_337 = arith.constant 2048 : i32
          %parallel_loop3A_338 = vector.broadcast %parallel_loop3A_337 : i32 to vector<16xi32>
          %parallel_loop3A_339 = arith.addi %parallel_loop3A_250, %parallel_loop3A_338 : vector<16xi32>
          tpu.vector_store_idx %arg8[%parallel_loop3A_339], %parallel_loop3A_253 {add = true} : memref<13312xf32, #tpu.memory_space<vmem>>[vector<16xi32>], vector<16xf32>,
          %parallel_loop3A_340 = arith.constant 3072 : i32
          %parallel_loop3A_341 = vector.broadcast %parallel_loop3A_340 : i32 to vector<16xi32>
          %parallel_loop3A_342 = arith.addi %parallel_loop3A_250, %parallel_loop3A_341 : vector<16xi32>
          tpu.vector_store_idx %arg8[%parallel_loop3A_342], %parallel_loop3A_254 {add = true} : memref<13312xf32, #tpu.memory_space<vmem>>[vector<16xi32>], vector<16xf32>,
          %parallel_loop3A_343 = arith.constant 4096 : i32
          %parallel_loop3A_344 = vector.broadcast %parallel_loop3A_343 : i32 to vector<16xi32>
          %parallel_loop3A_345 = arith.addi %parallel_loop3A_250, %parallel_loop3A_344 : vector<16xi32>
          tpu.vector_store_idx %arg8[%parallel_loop3A_345], %parallel_loop3A_255 {add = true} : memref<13312xf32, #tpu.memory_space<vmem>>[vector<16xi32>], vector<16xf32>,
          %parallel_loop3A_346 = arith.constant 5120 : i32
          %parallel_loop3A_347 = vector.broadcast %parallel_loop3A_346 : i32 to vector<16xi32>
          %parallel_loop3A_348 = arith.addi %parallel_loop3A_250, %parallel_loop3A_347 : vector<16xi32>
          tpu.vector_store_idx %arg8[%parallel_loop3A_348], %parallel_loop3A_256 {add = true} : memref<13312xf32, #tpu.memory_space<vmem>>[vector<16xi32>], vector<16xf32>,
          %parallel_loop3A_349 = arith.constant 6144 : i32
          %parallel_loop3A_350 = vector.broadcast %parallel_loop3A_349 : i32 to vector<16xi32>
          %parallel_loop3A_351 = arith.addi %parallel_loop3A_250, %parallel_loop3A_350 : vector<16xi32>
          tpu.vector_store_idx %arg8[%parallel_loop3A_351], %parallel_loop3A_257 {add = true} : memref<13312xf32, #tpu.memory_space<vmem>>[vector<16xi32>], vector<16xf32>,
          %parallel_loop3A_352 = arith.constant 7168 : i32
          %parallel_loop3A_353 = vector.broadcast %parallel_loop3A_352 : i32 to vector<16xi32>
          %parallel_loop3A_354 = arith.addi %parallel_loop3A_250, %parallel_loop3A_353 : vector<16xi32>
          tpu.vector_store_idx %arg8[%parallel_loop3A_354], %parallel_loop3A_258 {add = true} : memref<13312xf32, #tpu.memory_space<vmem>>[vector<16xi32>], vector<16xf32>,
          %parallel_loop3A_355 = arith.constant 8192 : i32
          %parallel_loop3A_356 = vector.broadcast %parallel_loop3A_355 : i32 to vector<16xi32>
          %parallel_loop3A_357 = arith.addi %parallel_loop3A_250, %parallel_loop3A_356 : vector<16xi32>
          tpu.vector_store_idx %arg8[%parallel_loop3A_357], %parallel_loop3A_259 {add = true} : memref<13312xf32, #tpu.memory_space<vmem>>[vector<16xi32>], vector<16xf32>,
          %parallel_loop3A_358 = arith.constant 9216 : i32
          %parallel_loop3A_359 = vector.broadcast %parallel_loop3A_358 : i32 to vector<16xi32>
          %parallel_loop3A_360 = arith.addi %parallel_loop3A_250, %parallel_loop3A_359 : vector<16xi32>
          tpu.vector_store_idx %arg8[%parallel_loop3A_360], %parallel_loop3A_260 {add = true} : memref<13312xf32, #tpu.memory_space<vmem>>[vector<16xi32>], vector<16xf32>,
          %parallel_loop3A_361 = arith.constant 10240 : i32
          %parallel_loop3A_362 = vector.broadcast %parallel_loop3A_361 : i32 to vector<16xi32>
          %parallel_loop3A_363 = arith.addi %parallel_loop3A_250, %parallel_loop3A_362 : vector<16xi32>
          tpu.vector_store_idx %arg8[%parallel_loop3A_363], %parallel_loop3A_261 {add = true} : memref<13312xf32, #tpu.memory_space<vmem>>[vector<16xi32>], vector<16xf32>,
          %parallel_loop3A_364 = arith.constant 11264 : i32
          %parallel_loop3A_365 = vector.broadcast %parallel_loop3A_364 : i32 to vector<16xi32>
          %parallel_loop3A_366 = arith.addi %parallel_loop3A_250, %parallel_loop3A_365 : vector<16xi32>
          tpu.vector_store_idx %arg8[%parallel_loop3A_366], %parallel_loop3A_262 {add = true} : memref<13312xf32, #tpu.memory_space<vmem>>[vector<16xi32>], vector<16xf32>,
          scf.yield %parallel_loop3A_267, %parallel_loop3A_272, %parallel_loop3A_277, %parallel_loop3A_282, %parallel_loop3A_287, %parallel_loop3A_292, %parallel_loop3A_297, %parallel_loop3A_302, %parallel_loop3A_307, %parallel_loop3A_312, %parallel_loop3A_317, %parallel_loop3A_322, %parallel_loop3A_327 : vector<16xi32>, vector<16xf32>, vector<16xf32>, vector<16xf32>, vector<16xf32>, vector<16xf32>, vector<16xf32>, vector<16xf32>, vector<16xf32>, vector<16xf32>, vector<16xf32>, vector<16xf32>, vector<16xf32>
        } {sc.loop_unroll_factor = 2 : i64, sc.parallel_access}
        %add3A_210 = arith.constant 12288 : i32
        %add3A_211 = vector.broadcast %add3A_210 : i32 to vector<16xi32>
        %add3A_212 = arith.addi %parallel_loop3A_209#0, %add3A_211 : vector<16xi32>
        tpu.vector_store_idx %arg8[%add3A_212], %broadcast_in_dim3A_39 {add = true} : memref<13312xf32, #tpu.memory_space<vmem>>[vector<16xi32>], vector<16xf32>,
        %add3A_213 = arith.constant 0 : i32
        %add3A_214 = vector.broadcast %add3A_213 : i32 to vector<16xi32>
        %add3A_215 = arith.addi %parallel_loop3A_209#0, %add3A_214 : vector<16xi32>
        tpu.vector_store_idx %arg8[%add3A_215], %parallel_loop3A_209#1 {add = true} : memref<13312xf32, #tpu.memory_space<vmem>>[vector<16xi32>], vector<16xf32>,
        %add3A_216 = arith.constant 1024 : i32
        %add3A_217 = vector.broadcast %add3A_216 : i32 to vector<16xi32>
        %add3A_218 = arith.addi %parallel_loop3A_209#0, %add3A_217 : vector<16xi32>
        tpu.vector_store_idx %arg8[%add3A_218], %parallel_loop3A_209#2 {add = true} : memref<13312xf32, #tpu.memory_space<vmem>>[vector<16xi32>], vector<16xf32>,
        %add3A_219 = arith.constant 2048 : i32
        %add3A_220 = vector.broadcast %add3A_219 : i32 to vector<16xi32>
        %add3A_221 = arith.addi %parallel_loop3A_209#0, %add3A_220 : vector<16xi32>
        tpu.vector_store_idx %arg8[%add3A_221], %parallel_loop3A_209#3 {add = true} : memref<13312xf32, #tpu.memory_space<vmem>>[vector<16xi32>], vector<16xf32>,
        %add3A_222 = arith.constant 3072 : i32
        %add3A_223 = vector.broadcast %add3A_222 : i32 to vector<16xi32>
        %add3A_224 = arith.addi %parallel_loop3A_209#0, %add3A_223 : vector<16xi32>
        tpu.vector_store_idx %arg8[%add3A_224], %parallel_loop3A_209#4 {add = true} : memref<13312xf32, #tpu.memory_space<vmem>>[vector<16xi32>], vector<16xf32>,
        %add3A_225 = arith.constant 4096 : i32
        %add3A_226 = vector.broadcast %add3A_225 : i32 to vector<16xi32>
        %add3A_227 = arith.addi %parallel_loop3A_209#0, %add3A_226 : vector<16xi32>
        tpu.vector_store_idx %arg8[%add3A_227], %parallel_loop3A_209#5 {add = true} : memref<13312xf32, #tpu.memory_space<vmem>>[vector<16xi32>], vector<16xf32>,
        %add3A_228 = arith.constant 5120 : i32
        %add3A_229 = vector.broadcast %add3A_228 : i32 to vector<16xi32>
        %add3A_230 = arith.addi %parallel_loop3A_209#0, %add3A_229 : vector<16xi32>
        tpu.vector_store_idx %arg8[%add3A_230], %parallel_loop3A_209#6 {add = true} : memref<13312xf32, #tpu.memory_space<vmem>>[vector<16xi32>], vector<16xf32>,
        %add3A_231 = arith.constant 6144 : i32
        %add3A_232 = vector.broadcast %add3A_231 : i32 to vector<16xi32>
        %add3A_233 = arith.addi %parallel_loop3A_209#0, %add3A_232 : vector<16xi32>
        tpu.vector_store_idx %arg8[%add3A_233], %parallel_loop3A_209#7 {add = true} : memref<13312xf32, #tpu.memory_space<vmem>>[vector<16xi32>], vector<16xf32>,
        %add3A_234 = arith.constant 7168 : i32
        %add3A_235 = vector.broadcast %add3A_234 : i32 to vector<16xi32>
        %add3A_236 = arith.addi %parallel_loop3A_209#0, %add3A_235 : vector<16xi32>
        tpu.vector_store_idx %arg8[%add3A_236], %parallel_loop3A_209#8 {add = true} : memref<13312xf32, #tpu.memory_space<vmem>>[vector<16xi32>], vector<16xf32>,
        %add3A_237 = arith.constant 8192 : i32
        %add3A_238 = vector.broadcast %add3A_237 : i32 to vector<16xi32>
        %add3A_239 = arith.addi %parallel_loop3A_209#0, %add3A_238 : vector<16xi32>
        tpu.vector_store_idx %arg8[%add3A_239], %parallel_loop3A_209#9 {add = true} : memref<13312xf32, #tpu.memory_space<vmem>>[vector<16xi32>], vector<16xf32>,
        %add3A_240 = arith.constant 9216 : i32
        %add3A_241 = vector.broadcast %add3A_240 : i32 to vector<16xi32>
        %add3A_242 = arith.addi %parallel_loop3A_209#0, %add3A_241 : vector<16xi32>
        tpu.vector_store_idx %arg8[%add3A_242], %parallel_loop3A_209#10 {add = true} : memref<13312xf32, #tpu.memory_space<vmem>>[vector<16xi32>], vector<16xf32>,
        %add3A_243 = arith.constant 10240 : i32
        %add3A_244 = vector.broadcast %add3A_243 : i32 to vector<16xi32>
        %add3A_245 = arith.addi %parallel_loop3A_209#0, %add3A_244 : vector<16xi32>
        tpu.vector_store_idx %arg8[%add3A_245], %parallel_loop3A_209#11 {add = true} : memref<13312xf32, #tpu.memory_space<vmem>>[vector<16xi32>], vector<16xf32>,
        %add3A_246 = arith.constant 11264 : i32
        %add3A_247 = vector.broadcast %add3A_246 : i32 to vector<16xi32>
        %add3A_248 = arith.addi %parallel_loop3A_209#0, %add3A_247 : vector<16xi32>
        tpu.vector_store_idx %arg8[%add3A_248], %parallel_loop3A_209#12 {add = true} : memref<13312xf32, #tpu.memory_space<vmem>>[vector<16xi32>], vector<16xf32>,
      }
      %scan3A_110 = arith.constant 8 : i32
      %add3A_111 = arith.constant 1 : i32
      %add3A_112 = arith.addi %add3A_84, %add3A_111 : i32
      %mul3A_113 = arith.constant 8 : i32
      %mul3A_114 = arith.muli %add3A_112, %mul3A_113 : i32
      %dma_wait3A_115 = arith.constant 0 : i32
      %dma_wait3A_116 = arith.constant 0 : i32
      %dma_wait3A_117 = tpu.memref_slice %arg3[%select_n3A_9, %dma_wait3A_115, %mul3A_114, %dma_wait3A_116] : memref<4x1x384x384xi32, #tpu.memory_space<hbm>> -> memref<1x1x8x384xi32, #tpu.memory_space<hbm>>
      %dma_wait3A_118 = tpu.memref_squeeze %dma_wait3A_117 : memref<1x1x8x384xi32, #tpu.memory_space<hbm>> -> memref<8x384xi32, #tpu.memory_space<hbm>>
      %dma_wait3A_119 = arith.constant 0 : i32
      %dma_wait3A_120 = tpu.memref_slice %arg3[%select_n3A_9, %dma_wait3A_115, %mul3A_114, %dma_wait3A_119] : memref<4x1x384x384xi32, #tpu.memory_space<hbm>> -> memref<1x1x8x384xi32, #tpu.memory_space<hbm>>
      %dma_wait3A_121 = tpu.memref_squeeze %dma_wait3A_120 : memref<1x1x8x384xi32, #tpu.memory_space<hbm>> -> memref<8x384xi32, #tpu.memory_space<hbm>>
      tpu.wait_dma2 semaphore(%arg18 : memref<!tpu.dma_semaphore, #tpu.memory_space<semaphore_mem>>) src(%dma_wait3A_121 : memref<8x384xi32, #tpu.memory_space<hbm>>) dst(%arg10 : memref<8x384xi32, #tpu.memory_space<vmem>>)
      %dma_wait3A_122 = arith.constant 0 : i32
      %dma_wait3A_123 = tpu.memref_slice %arg2[%select_n3A_9, %mul3A_32, %mul3A_114, %dma_wait3A_122] : memref<4x96x384x384xf32, #tpu.memory_space<hbm>> -> memref<1x12x8x384xf32, #tpu.memory_space<hbm>>
      %dma_wait3A_124 = tpu.memref_squeeze %dma_wait3A_123 : memref<1x12x8x384xf32, #tpu.memory_space<hbm>> -> memref<12x8x384xf32, #tpu.memory_space<hbm>>
      %dma_wait3A_125 = arith.constant 0 : i32
      %dma_wait3A_126 = tpu.memref_slice %arg2[%select_n3A_9, %mul3A_32, %mul3A_114, %dma_wait3A_125] : memref<4x96x384x384xf32, #tpu.memory_space<hbm>> -> memref<1x12x8x384xf32, #tpu.memory_space<hbm>>
      %dma_wait3A_127 = tpu.memref_squeeze %dma_wait3A_126 : memref<1x12x8x384xf32, #tpu.memory_space<hbm>> -> memref<12x8x384xf32, #tpu.memory_space<hbm>>
      tpu.wait_dma2 semaphore(%arg18 : memref<!tpu.dma_semaphore, #tpu.memory_space<semaphore_mem>>) src(%dma_wait3A_127 : memref<12x8x384xf32, #tpu.memory_space<hbm>>) dst(%arg12 : memref<12x8x384xf32, #tpu.memory_space<vmem>>)
      %add3A_128 = arith.constant 1 : i32
      %add3A_129 = arith.addi %add3A_112, %add3A_128 : i32
      %lt3A_130 = arith.constant 48 : i32
      %lt3A_131 = arith.cmpi slt, %add3A_129, %lt3A_130 : i32
      %convert_element_type3A_132 = arith.extui %lt3A_131 : i1 to i32
      %cond3A_133 = arith.constant 0 : i32
      %cond3A_134 = arith.cmpi ne, %convert_element_type3A_132, %cond3A_133 : i32
      scf.if %cond3A_134 {
        %add3A_140 = arith.constant 1 : i32
        %add3A_141 = arith.addi %add3A_112, %add3A_140 : i32
        %mul3A_142 = arith.constant 8 : i32
        %mul3A_143 = arith.muli %add3A_141, %mul3A_142 : i32
        %dma_start3A_144 = arith.constant 0 : i32
        %dma_start3A_145 = arith.constant 0 : i32
        %dma_start3A_146 = tpu.memref_slice %arg3[%select_n3A_9, %dma_start3A_144, %mul3A_143, %dma_start3A_145] : memref<4x1x384x384xi32, #tpu.memory_space<hbm>> -> memref<1x1x8x384xi32, #tpu.memory_space<hbm>>
        %dma_start3A_147 = tpu.memref_squeeze %dma_start3A_146 : memref<1x1x8x384xi32, #tpu.memory_space<hbm>> -> memref<8x384xi32, #tpu.memory_space<hbm>>
        %dma_start3A_148 = arith.constant 0 : i32
        %dma_start3A_149 = tpu.memref_slice %arg3[%select_n3A_9, %dma_start3A_144, %mul3A_143, %dma_start3A_148] : memref<4x1x384x384xi32, #tpu.memory_space<hbm>> -> memref<1x1x8x384xi32, #tpu.memory_space<hbm>>
        %dma_start3A_150 = tpu.memref_squeeze %dma_start3A_149 : memref<1x1x8x384xi32, #tpu.memory_space<hbm>> -> memref<8x384xi32, #tpu.memory_space<hbm>>
        tpu.enqueue_dma source(%dma_start3A_150 : memref<8x384xi32, #tpu.memory_space<hbm>>) target(%arg9 : memref<8x384xi32, #tpu.memory_space<vmem>>) target_semaphore(%arg17 : memref<!tpu.dma_semaphore, #tpu.memory_space<semaphore_mem>>)
        %dma_start3A_151 = arith.constant 0 : i32
        %dma_start3A_152 = tpu.memref_slice %arg2[%select_n3A_9, %mul3A_32, %mul3A_143, %dma_start3A_151] : memref<4x96x384x384xf32, #tpu.memory_space<hbm>> -> memref<1x12x8x384xf32, #tpu.memory_space<hbm>>
        %dma_start3A_153 = tpu.memref_squeeze %dma_start3A_152 : memref<1x12x8x384xf32, #tpu.memory_space<hbm>> -> memref<12x8x384xf32, #tpu.memory_space<hbm>>
        %dma_start3A_154 = arith.constant 0 : i32
        %dma_start3A_155 = tpu.memref_slice %arg2[%select_n3A_9, %mul3A_32, %mul3A_143, %dma_start3A_154] : memref<4x96x384x384xf32, #tpu.memory_space<hbm>> -> memref<1x12x8x384xf32, #tpu.memory_space<hbm>>
        %dma_start3A_156 = tpu.memref_squeeze %dma_start3A_155 : memref<1x12x8x384xf32, #tpu.memory_space<hbm>> -> memref<12x8x384xf32, #tpu.memory_space<hbm>>
        tpu.enqueue_dma source(%dma_start3A_156 : memref<12x8x384xf32, #tpu.memory_space<hbm>>) target(%arg11 : memref<12x8x384xf32, #tpu.memory_space<vmem>>) target_semaphore(%arg17 : memref<!tpu.dma_semaphore, #tpu.memory_space<semaphore_mem>>)
      } else {
      }
      %scan3A_135 = arith.constant 0 : i32
      %scan3A_136 = arith.constant 8 : i32
      %scan3A_137 = arith.addi %scan3A_135, %scan3A_136 : i32
      %scan3A_138 = arith.constant 1 : i32
      scf.for %scan3A_140 = %scan3A_135 to %scan3A_137 step %scan3A_138  : i32 {
        %mul3A_141 = arith.constant 1 : i32
        %mul3A_142 = arith.muli %scan3A_140, %mul3A_141 : i32
        %add3A_143 = arith.constant 0 : i32
        %add3A_144 = arith.addi %add3A_143, %mul3A_142 : i32
        %get3A = arith.index_cast %add3A_144 : i32 to index
        %get3A_145 = arith.constant 0 : index
        %get3A_146 = tpu.vector_load %arg10[%get3A, %get3A_145] {strides = array<i32>} : memref<8x384xi32, #tpu.memory_space<vmem>>, vector<16xi32>,
        %get3A_147 = arith.constant 0 : i32
        %get3A_148 = arith.index_cast %get3A_147 : i32 to index
        %get3A_149 = arith.index_cast %add3A_144 : i32 to index
        %get3A_150 = arith.constant 0 : index
        %get3A_151 = tpu.vector_load %arg12[%get3A_148, %get3A_149, %get3A_150] {strides = array<i32>} : memref<12x8x384xf32, #tpu.memory_space<vmem>>, vector<16xf32>,
        %get3A_152 = arith.constant 1 : i32
        %get3A_153 = arith.index_cast %get3A_152 : i32 to index
        %get3A_154 = arith.index_cast %add3A_144 : i32 to index
        %get3A_155 = arith.constant 0 : index
        %get3A_156 = tpu.vector_load %arg12[%get3A_153, %get3A_154, %get3A_155] {strides = array<i32>} : memref<12x8x384xf32, #tpu.memory_space<vmem>>, vector<16xf32>,
        %get3A_157 = arith.constant 2 : i32
        %get3A_158 = arith.index_cast %get3A_157 : i32 to index
        %get3A_159 = arith.index_cast %add3A_144 : i32 to index
        %get3A_160 = arith.constant 0 : index
        %get3A_161 = tpu.vector_load %arg12[%get3A_158, %get3A_159, %get3A_160] {strides = array<i32>} : memref<12x8x384xf32, #tpu.memory_space<vmem>>, vector<16xf32>,
        %get3A_162 = arith.constant 3 : i32
        %get3A_163 = arith.index_cast %get3A_162 : i32 to index
        %get3A_164 = arith.index_cast %add3A_144 : i32 to index
        %get3A_165 = arith.constant 0 : index
        %get3A_166 = tpu.vector_load %arg12[%get3A_163, %get3A_164, %get3A_165] {strides = array<i32>} : memref<12x8x384xf32, #tpu.memory_space<vmem>>, vector<16xf32>,
        %get3A_167 = arith.constant 4 : i32
        %get3A_168 = arith.index_cast %get3A_167 : i32 to index
        %get3A_169 = arith.index_cast %add3A_144 : i32 to index
        %get3A_170 = arith.constant 0 : index
        %get3A_171 = tpu.vector_load %arg12[%get3A_168, %get3A_169, %get3A_170] {strides = array<i32>} : memref<12x8x384xf32, #tpu.memory_space<vmem>>, vector<16xf32>,
        %get3A_172 = arith.constant 5 : i32
        %get3A_173 = arith.index_cast %get3A_172 : i32 to index
        %get3A_174 = arith.index_cast %add3A_144 : i32 to index
        %get3A_175 = arith.constant 0 : index
        %get3A_176 = tpu.vector_load %arg12[%get3A_173, %get3A_174, %get3A_175] {strides = array<i32>} : memref<12x8x384xf32, #tpu.memory_space<vmem>>, vector<16xf32>,
        %get3A_177 = arith.constant 6 : i32
        %get3A_178 = arith.index_cast %get3A_177 : i32 to index
        %get3A_179 = arith.index_cast %add3A_144 : i32 to index
        %get3A_180 = arith.constant 0 : index
        %get3A_181 = tpu.vector_load %arg12[%get3A_178, %get3A_179, %get3A_180] {strides = array<i32>} : memref<12x8x384xf32, #tpu.memory_space<vmem>>, vector<16xf32>,
        %get3A_182 = arith.constant 7 : i32
        %get3A_183 = arith.index_cast %get3A_182 : i32 to index
        %get3A_184 = arith.index_cast %add3A_144 : i32 to index
        %get3A_185 = arith.constant 0 : index
        %get3A_186 = tpu.vector_load %arg12[%get3A_183, %get3A_184, %get3A_185] {strides = array<i32>} : memref<12x8x384xf32, #tpu.memory_space<vmem>>, vector<16xf32>,
        %get3A_187 = arith.constant 8 : i32
        %get3A_188 = arith.index_cast %get3A_187 : i32 to index
        %get3A_189 = arith.index_cast %add3A_144 : i32 to index
        %get3A_190 = arith.constant 0 : index
        %get3A_191 = tpu.vector_load %arg12[%get3A_188, %get3A_189, %get3A_190] {strides = array<i32>} : memref<12x8x384xf32, #tpu.memory_space<vmem>>, vector<16xf32>,
        %get3A_192 = arith.constant 9 : i32
        %get3A_193 = arith.index_cast %get3A_192 : i32 to index
        %get3A_194 = arith.index_cast %add3A_144 : i32 to index
        %get3A_195 = arith.constant 0 : index
        %get3A_196 = tpu.vector_load %arg12[%get3A_193, %get3A_194, %get3A_195] {strides = array<i32>} : memref<12x8x384xf32, #tpu.memory_space<vmem>>, vector<16xf32>,
        %get3A_197 = arith.constant 10 : i32
        %get3A_198 = arith.index_cast %get3A_197 : i32 to index
        %get3A_199 = arith.index_cast %add3A_144 : i32 to index
        %get3A_200 = arith.constant 0 : index
        %get3A_201 = tpu.vector_load %arg12[%get3A_198, %get3A_199, %get3A_200] {strides = array<i32>} : memref<12x8x384xf32, #tpu.memory_space<vmem>>, vector<16xf32>,
        %get3A_202 = arith.constant 11 : i32
        %get3A_203 = arith.index_cast %get3A_202 : i32 to index
        %get3A_204 = arith.index_cast %add3A_144 : i32 to index
        %get3A_205 = arith.constant 0 : index
        %get3A_206 = tpu.vector_load %arg12[%get3A_203, %get3A_204, %get3A_205] {strides = array<i32>} : memref<12x8x384xf32, #tpu.memory_space<vmem>>, vector<16xf32>,
        %parallel_loop3A = arith.constant 1 : i32
        %parallel_loop3A_207 = arith.constant 24 : i32
        %parallel_loop3A_208 = arith.constant 1 : i32
        %parallel_loop3A_209:13 = scf.for %parallel_loop3A_249 = %parallel_loop3A to %parallel_loop3A_207 step %parallel_loop3A_208 iter_args(%parallel_loop3A_250 = %get3A_146, %parallel_loop3A_251 = %get3A_151, %parallel_loop3A_252 = %get3A_156, %parallel_loop3A_253 = %get3A_161, %parallel_loop3A_254 = %get3A_166, %parallel_loop3A_255 = %get3A_171, %parallel_loop3A_256 = %get3A_176, %parallel_loop3A_257 = %get3A_181, %parallel_loop3A_258 = %get3A_186, %parallel_loop3A_259 = %get3A_191, %parallel_loop3A_260 = %get3A_196, %parallel_loop3A_261 = %get3A_201, %parallel_loop3A_262 = %get3A_206) -> (vector<16xi32>, vector<16xf32>, vector<16xf32>, vector<16xf32>, vector<16xf32>, vector<16xf32>, vector<16xf32>, vector<16xf32>, vector<16xf32>, vector<16xf32>, vector<16xf32>, vector<16xf32>, vector<16xf32>)  : i32 {
          %parallel_loop3A_263 = arith.constant 16 : i32
          %parallel_loop3A_264 = arith.muli %parallel_loop3A_249, %parallel_loop3A_263 : i32
          %parallel_loop3A_265 = arith.index_cast %add3A_144 : i32 to index
          %parallel_loop3A_266 = arith.index_cast %parallel_loop3A_264 : i32 to index
          %parallel_loop3A_267 = tpu.vector_load %arg10[%parallel_loop3A_265, %parallel_loop3A_266] {strides = array<i32>} : memref<8x384xi32, #tpu.memory_space<vmem>>, vector<16xi32>,
          %parallel_loop3A_268 = arith.constant 0 : i32
          %parallel_loop3A_269 = arith.index_cast %parallel_loop3A_268 : i32 to index
          %parallel_loop3A_270 = arith.index_cast %add3A_144 : i32 to index
          %parallel_loop3A_271 = arith.index_cast %parallel_loop3A_264 : i32 to index
          %parallel_loop3A_272 = tpu.vector_load %arg12[%parallel_loop3A_269, %parallel_loop3A_270, %parallel_loop3A_271] {strides = array<i32>} : memref<12x8x384xf32, #tpu.memory_space<vmem>>, vector<16xf32>,
          %parallel_loop3A_273 = arith.constant 1 : i32
          %parallel_loop3A_274 = arith.index_cast %parallel_loop3A_273 : i32 to index
          %parallel_loop3A_275 = arith.index_cast %add3A_144 : i32 to index
          %parallel_loop3A_276 = arith.index_cast %parallel_loop3A_264 : i32 to index
          %parallel_loop3A_277 = tpu.vector_load %arg12[%parallel_loop3A_274, %parallel_loop3A_275, %parallel_loop3A_276] {strides = array<i32>} : memref<12x8x384xf32, #tpu.memory_space<vmem>>, vector<16xf32>,
          %parallel_loop3A_278 = arith.constant 2 : i32
          %parallel_loop3A_279 = arith.index_cast %parallel_loop3A_278 : i32 to index
          %parallel_loop3A_280 = arith.index_cast %add3A_144 : i32 to index
          %parallel_loop3A_281 = arith.index_cast %parallel_loop3A_264 : i32 to index
          %parallel_loop3A_282 = tpu.vector_load %arg12[%parallel_loop3A_279, %parallel_loop3A_280, %parallel_loop3A_281] {strides = array<i32>} : memref<12x8x384xf32, #tpu.memory_space<vmem>>, vector<16xf32>,
          %parallel_loop3A_283 = arith.constant 3 : i32
          %parallel_loop3A_284 = arith.index_cast %parallel_loop3A_283 : i32 to index
          %parallel_loop3A_285 = arith.index_cast %add3A_144 : i32 to index
          %parallel_loop3A_286 = arith.index_cast %parallel_loop3A_264 : i32 to index
          %parallel_loop3A_287 = tpu.vector_load %arg12[%parallel_loop3A_284, %parallel_loop3A_285, %parallel_loop3A_286] {strides = array<i32>} : memref<12x8x384xf32, #tpu.memory_space<vmem>>, vector<16xf32>,
          %parallel_loop3A_288 = arith.constant 4 : i32
          %parallel_loop3A_289 = arith.index_cast %parallel_loop3A_288 : i32 to index
          %parallel_loop3A_290 = arith.index_cast %add3A_144 : i32 to index
          %parallel_loop3A_291 = arith.index_cast %parallel_loop3A_264 : i32 to index
          %parallel_loop3A_292 = tpu.vector_load %arg12[%parallel_loop3A_289, %parallel_loop3A_290, %parallel_loop3A_291] {strides = array<i32>} : memref<12x8x384xf32, #tpu.memory_space<vmem>>, vector<16xf32>,
          %parallel_loop3A_293 = arith.constant 5 : i32
          %parallel_loop3A_294 = arith.index_cast %parallel_loop3A_293 : i32 to index
          %parallel_loop3A_295 = arith.index_cast %add3A_144 : i32 to index
          %parallel_loop3A_296 = arith.index_cast %parallel_loop3A_264 : i32 to index
          %parallel_loop3A_297 = tpu.vector_load %arg12[%parallel_loop3A_294, %parallel_loop3A_295, %parallel_loop3A_296] {strides = array<i32>} : memref<12x8x384xf32, #tpu.memory_space<vmem>>, vector<16xf32>,
          %parallel_loop3A_298 = arith.constant 6 : i32
          %parallel_loop3A_299 = arith.index_cast %parallel_loop3A_298 : i32 to index
          %parallel_loop3A_300 = arith.index_cast %add3A_144 : i32 to index
          %parallel_loop3A_301 = arith.index_cast %parallel_loop3A_264 : i32 to index
          %parallel_loop3A_302 = tpu.vector_load %arg12[%parallel_loop3A_299, %parallel_loop3A_300, %parallel_loop3A_301] {strides = array<i32>} : memref<12x8x384xf32, #tpu.memory_space<vmem>>, vector<16xf32>,
          %parallel_loop3A_303 = arith.constant 7 : i32
          %parallel_loop3A_304 = arith.index_cast %parallel_loop3A_303 : i32 to index
          %parallel_loop3A_305 = arith.index_cast %add3A_144 : i32 to index
          %parallel_loop3A_306 = arith.index_cast %parallel_loop3A_264 : i32 to index
          %parallel_loop3A_307 = tpu.vector_load %arg12[%parallel_loop3A_304, %parallel_loop3A_305, %parallel_loop3A_306] {strides = array<i32>} : memref<12x8x384xf32, #tpu.memory_space<vmem>>, vector<16xf32>,
          %parallel_loop3A_308 = arith.constant 8 : i32
          %parallel_loop3A_309 = arith.index_cast %parallel_loop3A_308 : i32 to index
          %parallel_loop3A_310 = arith.index_cast %add3A_144 : i32 to index
          %parallel_loop3A_311 = arith.index_cast %parallel_loop3A_264 : i32 to index
          %parallel_loop3A_312 = tpu.vector_load %arg12[%parallel_loop3A_309, %parallel_loop3A_310, %parallel_loop3A_311] {strides = array<i32>} : memref<12x8x384xf32, #tpu.memory_space<vmem>>, vector<16xf32>,
          %parallel_loop3A_313 = arith.constant 9 : i32
          %parallel_loop3A_314 = arith.index_cast %parallel_loop3A_313 : i32 to index
          %parallel_loop3A_315 = arith.index_cast %add3A_144 : i32 to index
          %parallel_loop3A_316 = arith.index_cast %parallel_loop3A_264 : i32 to index
          %parallel_loop3A_317 = tpu.vector_load %arg12[%parallel_loop3A_314, %parallel_loop3A_315, %parallel_loop3A_316] {strides = array<i32>} : memref<12x8x384xf32, #tpu.memory_space<vmem>>, vector<16xf32>,
          %parallel_loop3A_318 = arith.constant 10 : i32
          %parallel_loop3A_319 = arith.index_cast %parallel_loop3A_318 : i32 to index
          %parallel_loop3A_320 = arith.index_cast %add3A_144 : i32 to index
          %parallel_loop3A_321 = arith.index_cast %parallel_loop3A_264 : i32 to index
          %parallel_loop3A_322 = tpu.vector_load %arg12[%parallel_loop3A_319, %parallel_loop3A_320, %parallel_loop3A_321] {strides = array<i32>} : memref<12x8x384xf32, #tpu.memory_space<vmem>>, vector<16xf32>,
          %parallel_loop3A_323 = arith.constant 11 : i32
          %parallel_loop3A_324 = arith.index_cast %parallel_loop3A_323 : i32 to index
          %parallel_loop3A_325 = arith.index_cast %add3A_144 : i32 to index
          %parallel_loop3A_326 = arith.index_cast %parallel_loop3A_264 : i32 to index
          %parallel_loop3A_327 = tpu.vector_load %arg12[%parallel_loop3A_324, %parallel_loop3A_325, %parallel_loop3A_326] {strides = array<i32>} : memref<12x8x384xf32, #tpu.memory_space<vmem>>, vector<16xf32>,
          %parallel_loop3A_328 = arith.constant 12288 : i32
          %parallel_loop3A_329 = vector.broadcast %parallel_loop3A_328 : i32 to vector<16xi32>
          %parallel_loop3A_330 = arith.addi %parallel_loop3A_250, %parallel_loop3A_329 : vector<16xi32>
          tpu.vector_store_idx %arg8[%parallel_loop3A_330], %broadcast_in_dim3A_39 {add = true} : memref<13312xf32, #tpu.memory_space<vmem>>[vector<16xi32>], vector<16xf32>,
          %parallel_loop3A_331 = arith.constant 0 : i32
          %parallel_loop3A_332 = vector.broadcast %parallel_loop3A_331 : i32 to vector<16xi32>
          %parallel_loop3A_333 = arith.addi %parallel_loop3A_250, %parallel_loop3A_332 : vector<16xi32>
          tpu.vector_store_idx %arg8[%parallel_loop3A_333], %parallel_loop3A_251 {add = true} : memref<13312xf32, #tpu.memory_space<vmem>>[vector<16xi32>], vector<16xf32>,
          %parallel_loop3A_334 = arith.constant 1024 : i32
          %parallel_loop3A_335 = vector.broadcast %parallel_loop3A_334 : i32 to vector<16xi32>
          %parallel_loop3A_336 = arith.addi %parallel_loop3A_250, %parallel_loop3A_335 : vector<16xi32>
          tpu.vector_store_idx %arg8[%parallel_loop3A_336], %parallel_loop3A_252 {add = true} : memref<13312xf32, #tpu.memory_space<vmem>>[vector<16xi32>], vector<16xf32>,
          %parallel_loop3A_337 = arith.constant 2048 : i32
          %parallel_loop3A_338 = vector.broadcast %parallel_loop3A_337 : i32 to vector<16xi32>
          %parallel_loop3A_339 = arith.addi %parallel_loop3A_250, %parallel_loop3A_338 : vector<16xi32>
          tpu.vector_store_idx %arg8[%parallel_loop3A_339], %parallel_loop3A_253 {add = true} : memref<13312xf32, #tpu.memory_space<vmem>>[vector<16xi32>], vector<16xf32>,
          %parallel_loop3A_340 = arith.constant 3072 : i32
          %parallel_loop3A_341 = vector.broadcast %parallel_loop3A_340 : i32 to vector<16xi32>
          %parallel_loop3A_342 = arith.addi %parallel_loop3A_250, %parallel_loop3A_341 : vector<16xi32>
          tpu.vector_store_idx %arg8[%parallel_loop3A_342], %parallel_loop3A_254 {add = true} : memref<13312xf32, #tpu.memory_space<vmem>>[vector<16xi32>], vector<16xf32>,
          %parallel_loop3A_343 = arith.constant 4096 : i32
          %parallel_loop3A_344 = vector.broadcast %parallel_loop3A_343 : i32 to vector<16xi32>
          %parallel_loop3A_345 = arith.addi %parallel_loop3A_250, %parallel_loop3A_344 : vector<16xi32>
          tpu.vector_store_idx %arg8[%parallel_loop3A_345], %parallel_loop3A_255 {add = true} : memref<13312xf32, #tpu.memory_space<vmem>>[vector<16xi32>], vector<16xf32>,
          %parallel_loop3A_346 = arith.constant 5120 : i32
          %parallel_loop3A_347 = vector.broadcast %parallel_loop3A_346 : i32 to vector<16xi32>
          %parallel_loop3A_348 = arith.addi %parallel_loop3A_250, %parallel_loop3A_347 : vector<16xi32>
          tpu.vector_store_idx %arg8[%parallel_loop3A_348], %parallel_loop3A_256 {add = true} : memref<13312xf32, #tpu.memory_space<vmem>>[vector<16xi32>], vector<16xf32>,
          %parallel_loop3A_349 = arith.constant 6144 : i32
          %parallel_loop3A_350 = vector.broadcast %parallel_loop3A_349 : i32 to vector<16xi32>
          %parallel_loop3A_351 = arith.addi %parallel_loop3A_250, %parallel_loop3A_350 : vector<16xi32>
          tpu.vector_store_idx %arg8[%parallel_loop3A_351], %parallel_loop3A_257 {add = true} : memref<13312xf32, #tpu.memory_space<vmem>>[vector<16xi32>], vector<16xf32>,
          %parallel_loop3A_352 = arith.constant 7168 : i32
          %parallel_loop3A_353 = vector.broadcast %parallel_loop3A_352 : i32 to vector<16xi32>
          %parallel_loop3A_354 = arith.addi %parallel_loop3A_250, %parallel_loop3A_353 : vector<16xi32>
          tpu.vector_store_idx %arg8[%parallel_loop3A_354], %parallel_loop3A_258 {add = true} : memref<13312xf32, #tpu.memory_space<vmem>>[vector<16xi32>], vector<16xf32>,
          %parallel_loop3A_355 = arith.constant 8192 : i32
          %parallel_loop3A_356 = vector.broadcast %parallel_loop3A_355 : i32 to vector<16xi32>
          %parallel_loop3A_357 = arith.addi %parallel_loop3A_250, %parallel_loop3A_356 : vector<16xi32>
          tpu.vector_store_idx %arg8[%parallel_loop3A_357], %parallel_loop3A_259 {add = true} : memref<13312xf32, #tpu.memory_space<vmem>>[vector<16xi32>], vector<16xf32>,
          %parallel_loop3A_358 = arith.constant 9216 : i32
          %parallel_loop3A_359 = vector.broadcast %parallel_loop3A_358 : i32 to vector<16xi32>
          %parallel_loop3A_360 = arith.addi %parallel_loop3A_250, %parallel_loop3A_359 : vector<16xi32>
          tpu.vector_store_idx %arg8[%parallel_loop3A_360], %parallel_loop3A_260 {add = true} : memref<13312xf32, #tpu.memory_space<vmem>>[vector<16xi32>], vector<16xf32>,
          %parallel_loop3A_361 = arith.constant 10240 : i32
          %parallel_loop3A_362 = vector.broadcast %parallel_loop3A_361 : i32 to vector<16xi32>
          %parallel_loop3A_363 = arith.addi %parallel_loop3A_250, %parallel_loop3A_362 : vector<16xi32>
          tpu.vector_store_idx %arg8[%parallel_loop3A_363], %parallel_loop3A_261 {add = true} : memref<13312xf32, #tpu.memory_space<vmem>>[vector<16xi32>], vector<16xf32>,
          %parallel_loop3A_364 = arith.constant 11264 : i32
          %parallel_loop3A_365 = vector.broadcast %parallel_loop3A_364 : i32 to vector<16xi32>
          %parallel_loop3A_366 = arith.addi %parallel_loop3A_250, %parallel_loop3A_365 : vector<16xi32>
          tpu.vector_store_idx %arg8[%parallel_loop3A_366], %parallel_loop3A_262 {add = true} : memref<13312xf32, #tpu.memory_space<vmem>>[vector<16xi32>], vector<16xf32>,
          scf.yield %parallel_loop3A_267, %parallel_loop3A_272, %parallel_loop3A_277, %parallel_loop3A_282, %parallel_loop3A_287, %parallel_loop3A_292, %parallel_loop3A_297, %parallel_loop3A_302, %parallel_loop3A_307, %parallel_loop3A_312, %parallel_loop3A_317, %parallel_loop3A_322, %parallel_loop3A_327 : vector<16xi32>, vector<16xf32>, vector<16xf32>, vector<16xf32>, vector<16xf32>, vector<16xf32>, vector<16xf32>, vector<16xf32>, vector<16xf32>, vector<16xf32>, vector<16xf32>, vector<16xf32>, vector<16xf32>
        } {sc.loop_unroll_factor = 2 : i64, sc.parallel_access}
        %add3A_210 = arith.constant 12288 : i32
        %add3A_211 = vector.broadcast %add3A_210 : i32 to vector<16xi32>
        %add3A_212 = arith.addi %parallel_loop3A_209#0, %add3A_211 : vector<16xi32>
        tpu.vector_store_idx %arg8[%add3A_212], %broadcast_in_dim3A_39 {add = true} : memref<13312xf32, #tpu.memory_space<vmem>>[vector<16xi32>], vector<16xf32>,
        %add3A_213 = arith.constant 0 : i32
        %add3A_214 = vector.broadcast %add3A_213 : i32 to vector<16xi32>
        %add3A_215 = arith.addi %parallel_loop3A_209#0, %add3A_214 : vector<16xi32>
        tpu.vector_store_idx %arg8[%add3A_215], %parallel_loop3A_209#1 {add = true} : memref<13312xf32, #tpu.memory_space<vmem>>[vector<16xi32>], vector<16xf32>,
        %add3A_216 = arith.constant 1024 : i32
        %add3A_217 = vector.broadcast %add3A_216 : i32 to vector<16xi32>
        %add3A_218 = arith.addi %parallel_loop3A_209#0, %add3A_217 : vector<16xi32>
        tpu.vector_store_idx %arg8[%add3A_218], %parallel_loop3A_209#2 {add = true} : memref<13312xf32, #tpu.memory_space<vmem>>[vector<16xi32>], vector<16xf32>,
        %add3A_219 = arith.constant 2048 : i32
        %add3A_220 = vector.broadcast %add3A_219 : i32 to vector<16xi32>
        %add3A_221 = arith.addi %parallel_loop3A_209#0, %add3A_220 : vector<16xi32>
        tpu.vector_store_idx %arg8[%add3A_221], %parallel_loop3A_209#3 {add = true} : memref<13312xf32, #tpu.memory_space<vmem>>[vector<16xi32>], vector<16xf32>,
        %add3A_222 = arith.constant 3072 : i32
        %add3A_223 = vector.broadcast %add3A_222 : i32 to vector<16xi32>
        %add3A_224 = arith.addi %parallel_loop3A_209#0, %add3A_223 : vector<16xi32>
        tpu.vector_store_idx %arg8[%add3A_224], %parallel_loop3A_209#4 {add = true} : memref<13312xf32, #tpu.memory_space<vmem>>[vector<16xi32>], vector<16xf32>,
        %add3A_225 = arith.constant 4096 : i32
        %add3A_226 = vector.broadcast %add3A_225 : i32 to vector<16xi32>
        %add3A_227 = arith.addi %parallel_loop3A_209#0, %add3A_226 : vector<16xi32>
        tpu.vector_store_idx %arg8[%add3A_227], %parallel_loop3A_209#5 {add = true} : memref<13312xf32, #tpu.memory_space<vmem>>[vector<16xi32>], vector<16xf32>,
        %add3A_228 = arith.constant 5120 : i32
        %add3A_229 = vector.broadcast %add3A_228 : i32 to vector<16xi32>
        %add3A_230 = arith.addi %parallel_loop3A_209#0, %add3A_229 : vector<16xi32>
        tpu.vector_store_idx %arg8[%add3A_230], %parallel_loop3A_209#6 {add = true} : memref<13312xf32, #tpu.memory_space<vmem>>[vector<16xi32>], vector<16xf32>,
        %add3A_231 = arith.constant 6144 : i32
        %add3A_232 = vector.broadcast %add3A_231 : i32 to vector<16xi32>
        %add3A_233 = arith.addi %parallel_loop3A_209#0, %add3A_232 : vector<16xi32>
        tpu.vector_store_idx %arg8[%add3A_233], %parallel_loop3A_209#7 {add = true} : memref<13312xf32, #tpu.memory_space<vmem>>[vector<16xi32>], vector<16xf32>,
        %add3A_234 = arith.constant 7168 : i32
        %add3A_235 = vector.broadcast %add3A_234 : i32 to vector<16xi32>
        %add3A_236 = arith.addi %parallel_loop3A_209#0, %add3A_235 : vector<16xi32>
        tpu.vector_store_idx %arg8[%add3A_236], %parallel_loop3A_209#8 {add = true} : memref<13312xf32, #tpu.memory_space<vmem>>[vector<16xi32>], vector<16xf32>,
        %add3A_237 = arith.constant 8192 : i32
        %add3A_238 = vector.broadcast %add3A_237 : i32 to vector<16xi32>
        %add3A_239 = arith.addi %parallel_loop3A_209#0, %add3A_238 : vector<16xi32>
        tpu.vector_store_idx %arg8[%add3A_239], %parallel_loop3A_209#9 {add = true} : memref<13312xf32, #tpu.memory_space<vmem>>[vector<16xi32>], vector<16xf32>,
        %add3A_240 = arith.constant 9216 : i32
        %add3A_241 = vector.broadcast %add3A_240 : i32 to vector<16xi32>
        %add3A_242 = arith.addi %parallel_loop3A_209#0, %add3A_241 : vector<16xi32>
        tpu.vector_store_idx %arg8[%add3A_242], %parallel_loop3A_209#10 {add = true} : memref<13312xf32, #tpu.memory_space<vmem>>[vector<16xi32>], vector<16xf32>,
        %add3A_243 = arith.constant 10240 : i32
        %add3A_244 = vector.broadcast %add3A_243 : i32 to vector<16xi32>
        %add3A_245 = arith.addi %parallel_loop3A_209#0, %add3A_244 : vector<16xi32>
        tpu.vector_store_idx %arg8[%add3A_245], %parallel_loop3A_209#11 {add = true} : memref<13312xf32, #tpu.memory_space<vmem>>[vector<16xi32>], vector<16xf32>,
        %add3A_246 = arith.constant 11264 : i32
        %add3A_247 = vector.broadcast %add3A_246 : i32 to vector<16xi32>
        %add3A_248 = arith.addi %parallel_loop3A_209#0, %add3A_247 : vector<16xi32>
        tpu.vector_store_idx %arg8[%add3A_248], %parallel_loop3A_209#12 {add = true} : memref<13312xf32, #tpu.memory_space<vmem>>[vector<16xi32>], vector<16xf32>,
      }
      %scan3A_139 = arith.constant 8 : i32
    }
    %scan3A_60 = arith.constant 24 : i32
    %scan3A_61 = arith.constant 0 : i32
    %scan3A_62 = arith.constant 64 : i32
    %scan3A_63 = arith.addi %scan3A_61, %scan3A_62 : i32
    %scan3A_64 = arith.constant 1 : i32
    scf.for %scan3A_80 = %scan3A_61 to %scan3A_63 step %scan3A_64  : i32 {
      %mul3A_81 = arith.constant 1 : i32
      %mul3A_82 = arith.muli %scan3A_80, %mul3A_81 : i32
      %add3A_83 = arith.constant 0 : i32
      %add3A_84 = arith.addi %add3A_83, %mul3A_82 : i32
      %mul3A_85 = arith.constant 16 : i32
      %mul3A_86 = arith.muli %add3A_84, %mul3A_85 : i32
      %add3A_87 = arith.constant 12288 : i32
      %add3A_88 = arith.addi %add3A_87, %mul3A_86 : i32
      %get3A = arith.index_cast %add3A_88 : i32 to index
      %get3A_89 = tpu.vector_load %arg8[%get3A] {strides = array<i32>} : memref<13312xf32, #tpu.memory_space<vmem>>, vector<16xf32>,
      %div3A_90 = arith.constant 1.000000e+00 : f32
      %div3A_91 = vector.broadcast %div3A_90 : f32 to vector<16xf32>
      %div3A_92 = arith.divf %div3A_91, %get3A_89 : vector<16xf32>
      %add3A_93 = arith.constant 0 : i32
      %add3A_94 = arith.addi %add3A_93, %mul3A_86 : i32
      %get3A_95 = arith.index_cast %add3A_94 : i32 to index
      %get3A_96 = tpu.vector_load %arg8[%get3A_95] {strides = array<i32>} : memref<13312xf32, #tpu.memory_space<vmem>>, vector<16xf32>,
      %mul3A_97 = arith.mulf %get3A_96, %div3A_92 : vector<16xf32>
      %add3A_98 = arith.constant 0 : i32
      %add3A_99 = arith.addi %add3A_98, %mul3A_86 : i32
      %swap3A = arith.index_cast %add3A_99 : i32 to index
      %swap3A_100 = tpu.vector_load %arg8[%swap3A] {strides = array<i32>} : memref<13312xf32, #tpu.memory_space<vmem>>, vector<16xf32>,
      tpu.vector_store %arg8[%swap3A], %mul3A_97 {strides = array<i32>} : memref<13312xf32, #tpu.memory_space<vmem>>, vector<16xf32>,
      %add3A_101 = arith.constant 1024 : i32
      %add3A_102 = arith.addi %add3A_101, %mul3A_86 : i32
      %get3A_103 = arith.index_cast %add3A_102 : i32 to index
      %get3A_104 = tpu.vector_load %arg8[%get3A_103] {strides = array<i32>} : memref<13312xf32, #tpu.memory_space<vmem>>, vector<16xf32>,
      %mul3A_105 = arith.mulf %get3A_104, %div3A_92 : vector<16xf32>
      %add3A_106 = arith.constant 1024 : i32
      %add3A_107 = arith.addi %add3A_106, %mul3A_86 : i32
      %swap3A_108 = arith.index_cast %add3A_107 : i32 to index
      %swap3A_109 = tpu.vector_load %arg8[%swap3A_108] {strides = array<i32>} : memref<13312xf32, #tpu.memory_space<vmem>>, vector<16xf32>,
      tpu.vector_store %arg8[%swap3A_108], %mul3A_105 {strides = array<i32>} : memref<13312xf32, #tpu.memory_space<vmem>>, vector<16xf32>,
      %add3A_110 = arith.constant 2048 : i32
      %add3A_111 = arith.addi %add3A_110, %mul3A_86 : i32
      %get3A_112 = arith.index_cast %add3A_111 : i32 to index
      %get3A_113 = tpu.vector_load %arg8[%get3A_112] {strides = array<i32>} : memref<13312xf32, #tpu.memory_space<vmem>>, vector<16xf32>,
      %mul3A_114 = arith.mulf %get3A_113, %div3A_92 : vector<16xf32>
      %add3A_115 = arith.constant 2048 : i32
      %add3A_116 = arith.addi %add3A_115, %mul3A_86 : i32
      %swap3A_117 = arith.index_cast %add3A_116 : i32 to index
      %swap3A_118 = tpu.vector_load %arg8[%swap3A_117] {strides = array<i32>} : memref<13312xf32, #tpu.memory_space<vmem>>, vector<16xf32>,
      tpu.vector_store %arg8[%swap3A_117], %mul3A_114 {strides = array<i32>} : memref<13312xf32, #tpu.memory_space<vmem>>, vector<16xf32>,
      %add3A_119 = arith.constant 3072 : i32
      %add3A_120 = arith.addi %add3A_119, %mul3A_86 : i32
      %get3A_121 = arith.index_cast %add3A_120 : i32 to index
      %get3A_122 = tpu.vector_load %arg8[%get3A_121] {strides = array<i32>} : memref<13312xf32, #tpu.memory_space<vmem>>, vector<16xf32>,
      %mul3A_123 = arith.mulf %get3A_122, %div3A_92 : vector<16xf32>
      %add3A_124 = arith.constant 3072 : i32
      %add3A_125 = arith.addi %add3A_124, %mul3A_86 : i32
      %swap3A_126 = arith.index_cast %add3A_125 : i32 to index
      %swap3A_127 = tpu.vector_load %arg8[%swap3A_126] {strides = array<i32>} : memref<13312xf32, #tpu.memory_space<vmem>>, vector<16xf32>,
      tpu.vector_store %arg8[%swap3A_126], %mul3A_123 {strides = array<i32>} : memref<13312xf32, #tpu.memory_space<vmem>>, vector<16xf32>,
      %add3A_128 = arith.constant 4096 : i32
      %add3A_129 = arith.addi %add3A_128, %mul3A_86 : i32
      %get3A_130 = arith.index_cast %add3A_129 : i32 to index
      %get3A_131 = tpu.vector_load %arg8[%get3A_130] {strides = array<i32>} : memref<13312xf32, #tpu.memory_space<vmem>>, vector<16xf32>,
      %mul3A_132 = arith.mulf %get3A_131, %div3A_92 : vector<16xf32>
      %add3A_133 = arith.constant 4096 : i32
      %add3A_134 = arith.addi %add3A_133, %mul3A_86 : i32
      %swap3A_135 = arith.index_cast %add3A_134 : i32 to index
      %swap3A_136 = tpu.vector_load %arg8[%swap3A_135] {strides = array<i32>} : memref<13312xf32, #tpu.memory_space<vmem>>, vector<16xf32>,
      tpu.vector_store %arg8[%swap3A_135], %mul3A_132 {strides = array<i32>} : memref<13312xf32, #tpu.memory_space<vmem>>, vector<16xf32>,
      %add3A_137 = arith.constant 5120 : i32
      %add3A_138 = arith.addi %add3A_137, %mul3A_86 : i32
      %get3A_139 = arith.index_cast %add3A_138 : i32 to index
      %get3A_140 = tpu.vector_load %arg8[%get3A_139] {strides = array<i32>} : memref<13312xf32, #tpu.memory_space<vmem>>, vector<16xf32>,
      %mul3A_141 = arith.mulf %get3A_140, %div3A_92 : vector<16xf32>
      %add3A_142 = arith.constant 5120 : i32
      %add3A_143 = arith.addi %add3A_142, %mul3A_86 : i32
      %swap3A_144 = arith.index_cast %add3A_143 : i32 to index
      %swap3A_145 = tpu.vector_load %arg8[%swap3A_144] {strides = array<i32>} : memref<13312xf32, #tpu.memory_space<vmem>>, vector<16xf32>,
      tpu.vector_store %arg8[%swap3A_144], %mul3A_141 {strides = array<i32>} : memref<13312xf32, #tpu.memory_space<vmem>>, vector<16xf32>,
      %add3A_146 = arith.constant 6144 : i32
      %add3A_147 = arith.addi %add3A_146, %mul3A_86 : i32
      %get3A_148 = arith.index_cast %add3A_147 : i32 to index
      %get3A_149 = tpu.vector_load %arg8[%get3A_148] {strides = array<i32>} : memref<13312xf32, #tpu.memory_space<vmem>>, vector<16xf32>,
      %mul3A_150 = arith.mulf %get3A_149, %div3A_92 : vector<16xf32>
      %add3A_151 = arith.constant 6144 : i32
      %add3A_152 = arith.addi %add3A_151, %mul3A_86 : i32
      %swap3A_153 = arith.index_cast %add3A_152 : i32 to index
      %swap3A_154 = tpu.vector_load %arg8[%swap3A_153] {strides = array<i32>} : memref<13312xf32, #tpu.memory_space<vmem>>, vector<16xf32>,
      tpu.vector_store %arg8[%swap3A_153], %mul3A_150 {strides = array<i32>} : memref<13312xf32, #tpu.memory_space<vmem>>, vector<16xf32>,
      %add3A_155 = arith.constant 7168 : i32
      %add3A_156 = arith.addi %add3A_155, %mul3A_86 : i32
      %get3A_157 = arith.index_cast %add3A_156 : i32 to index
      %get3A_158 = tpu.vector_load %arg8[%get3A_157] {strides = array<i32>} : memref<13312xf32, #tpu.memory_space<vmem>>, vector<16xf32>,
      %mul3A_159 = arith.mulf %get3A_158, %div3A_92 : vector<16xf32>
      %add3A_160 = arith.constant 7168 : i32
      %add3A_161 = arith.addi %add3A_160, %mul3A_86 : i32
      %swap3A_162 = arith.index_cast %add3A_161 : i32 to index
      %swap3A_163 = tpu.vector_load %arg8[%swap3A_162] {strides = array<i32>} : memref<13312xf32, #tpu.memory_space<vmem>>, vector<16xf32>,
      tpu.vector_store %arg8[%swap3A_162], %mul3A_159 {strides = array<i32>} : memref<13312xf32, #tpu.memory_space<vmem>>, vector<16xf32>,
      %add3A_164 = arith.constant 8192 : i32
      %add3A_165 = arith.addi %add3A_164, %mul3A_86 : i32
      %get3A_166 = arith.index_cast %add3A_165 : i32 to index
      %get3A_167 = tpu.vector_load %arg8[%get3A_166] {strides = array<i32>} : memref<13312xf32, #tpu.memory_space<vmem>>, vector<16xf32>,
      %mul3A_168 = arith.mulf %get3A_167, %div3A_92 : vector<16xf32>
      %add3A_169 = arith.constant 8192 : i32
      %add3A_170 = arith.addi %add3A_169, %mul3A_86 : i32
      %swap3A_171 = arith.index_cast %add3A_170 : i32 to index
      %swap3A_172 = tpu.vector_load %arg8[%swap3A_171] {strides = array<i32>} : memref<13312xf32, #tpu.memory_space<vmem>>, vector<16xf32>,
      tpu.vector_store %arg8[%swap3A_171], %mul3A_168 {strides = array<i32>} : memref<13312xf32, #tpu.memory_space<vmem>>, vector<16xf32>,
      %add3A_173 = arith.constant 9216 : i32
      %add3A_174 = arith.addi %add3A_173, %mul3A_86 : i32
      %get3A_175 = arith.index_cast %add3A_174 : i32 to index
      %get3A_176 = tpu.vector_load %arg8[%get3A_175] {strides = array<i32>} : memref<13312xf32, #tpu.memory_space<vmem>>, vector<16xf32>,
      %mul3A_177 = arith.mulf %get3A_176, %div3A_92 : vector<16xf32>
      %add3A_178 = arith.constant 9216 : i32
      %add3A_179 = arith.addi %add3A_178, %mul3A_86 : i32
      %swap3A_180 = arith.index_cast %add3A_179 : i32 to index
      %swap3A_181 = tpu.vector_load %arg8[%swap3A_180] {strides = array<i32>} : memref<13312xf32, #tpu.memory_space<vmem>>, vector<16xf32>,
      tpu.vector_store %arg8[%swap3A_180], %mul3A_177 {strides = array<i32>} : memref<13312xf32, #tpu.memory_space<vmem>>, vector<16xf32>,
      %add3A_182 = arith.constant 10240 : i32
      %add3A_183 = arith.addi %add3A_182, %mul3A_86 : i32
      %get3A_184 = arith.index_cast %add3A_183 : i32 to index
      %get3A_185 = tpu.vector_load %arg8[%get3A_184] {strides = array<i32>} : memref<13312xf32, #tpu.memory_space<vmem>>, vector<16xf32>,
      %mul3A_186 = arith.mulf %get3A_185, %div3A_92 : vector<16xf32>
      %add3A_187 = arith.constant 10240 : i32
      %add3A_188 = arith.addi %add3A_187, %mul3A_86 : i32
      %swap3A_189 = arith.index_cast %add3A_188 : i32 to index
      %swap3A_190 = tpu.vector_load %arg8[%swap3A_189] {strides = array<i32>} : memref<13312xf32, #tpu.memory_space<vmem>>, vector<16xf32>,
      tpu.vector_store %arg8[%swap3A_189], %mul3A_186 {strides = array<i32>} : memref<13312xf32, #tpu.memory_space<vmem>>, vector<16xf32>,
      %add3A_191 = arith.constant 11264 : i32
      %add3A_192 = arith.addi %add3A_191, %mul3A_86 : i32
      %get3A_193 = arith.index_cast %add3A_192 : i32 to index
      %get3A_194 = tpu.vector_load %arg8[%get3A_193] {strides = array<i32>} : memref<13312xf32, #tpu.memory_space<vmem>>, vector<16xf32>,
      %mul3A_195 = arith.mulf %get3A_194, %div3A_92 : vector<16xf32>
      %add3A_196 = arith.constant 11264 : i32
      %add3A_197 = arith.addi %add3A_196, %mul3A_86 : i32
      %swap3A_198 = arith.index_cast %add3A_197 : i32 to index
      %swap3A_199 = tpu.vector_load %arg8[%swap3A_198] {strides = array<i32>} : memref<13312xf32, #tpu.memory_space<vmem>>, vector<16xf32>,
      tpu.vector_store %arg8[%swap3A_198], %mul3A_195 {strides = array<i32>} : memref<13312xf32, #tpu.memory_space<vmem>>, vector<16xf32>,
    }
    %scan3A_65 = arith.constant 64 : i32
    %mul3A_66 = arith.constant 256 : i32
    %mul3A_67 = arith.muli %select_n3A_9, %mul3A_66 : i32
    "tpu.region"() ({
      %run_scoped3A = tpu.sem_alloc : memref<!tpu.dma_semaphore, #tpu.memory_space<semaphore_mem>>
      %dma_start3A_80 = tpu.memref_slice %arg4[%mul3A_67] : memref<1024xi32, #tpu.memory_space<hbm>> -> memref<256xi32, #tpu.memory_space<hbm>>
      %dma_start3A_81 = tpu.memref_slice %arg4[%mul3A_67] : memref<1024xi32, #tpu.memory_space<hbm>> -> memref<256xi32, #tpu.memory_space<hbm>>
      tpu.enqueue_dma source(%dma_start3A_81 : memref<256xi32, #tpu.memory_space<hbm>>) target(%arg13 : memref<256xi32, #tpu.memory_space<vmem>>) target_semaphore(%run_scoped3A : memref<!tpu.dma_semaphore, #tpu.memory_space<semaphore_mem>>)
      %dma_wait3A = tpu.memref_slice %arg4[%mul3A_67] : memref<1024xi32, #tpu.memory_space<hbm>> -> memref<256xi32, #tpu.memory_space<hbm>>
      %dma_wait3A_82 = tpu.memref_slice %arg4[%mul3A_67] : memref<1024xi32, #tpu.memory_space<hbm>> -> memref<256xi32, #tpu.memory_space<hbm>>
      tpu.wait_dma2 semaphore(%run_scoped3A : memref<!tpu.dma_semaphore, #tpu.memory_space<semaphore_mem>>) src(%dma_wait3A_82 : memref<256xi32, #tpu.memory_space<hbm>>) dst(%arg13 : memref<256xi32, #tpu.memory_space<vmem>>)
      tpu.yield
    }) : () -> ()
    %mul3A_68 = arith.constant 256 : i32
    %mul3A_69 = arith.muli %select_n3A_9, %mul3A_68 : i32
    "tpu.region"() ({
      %run_scoped3A = tpu.sem_alloc : memref<!tpu.dma_semaphore, #tpu.memory_space<semaphore_mem>>
      %dma_start3A_80 = tpu.memref_slice %arg5[%mul3A_69] : memref<1024xi32, #tpu.memory_space<hbm>> -> memref<256xi32, #tpu.memory_space<hbm>>
      %dma_start3A_81 = tpu.memref_slice %arg5[%mul3A_69] : memref<1024xi32, #tpu.memory_space<hbm>> -> memref<256xi32, #tpu.memory_space<hbm>>
      tpu.enqueue_dma source(%dma_start3A_81 : memref<256xi32, #tpu.memory_space<hbm>>) target(%arg14 : memref<256xi32, #tpu.memory_space<vmem>>) target_semaphore(%run_scoped3A : memref<!tpu.dma_semaphore, #tpu.memory_space<semaphore_mem>>)
      %dma_wait3A = tpu.memref_slice %arg5[%mul3A_69] : memref<1024xi32, #tpu.memory_space<hbm>> -> memref<256xi32, #tpu.memory_space<hbm>>
      %dma_wait3A_82 = tpu.memref_slice %arg5[%mul3A_69] : memref<1024xi32, #tpu.memory_space<hbm>> -> memref<256xi32, #tpu.memory_space<hbm>>
      tpu.wait_dma2 semaphore(%run_scoped3A : memref<!tpu.dma_semaphore, #tpu.memory_space<semaphore_mem>>) src(%dma_wait3A_82 : memref<256xi32, #tpu.memory_space<hbm>>) dst(%arg14 : memref<256xi32, #tpu.memory_space<vmem>>)
      tpu.yield
    }) : () -> ()
    %scan3A_70 = arith.constant 0 : i32
    %scan3A_71 = arith.constant 16 : i32
    %scan3A_72 = arith.addi %scan3A_70, %scan3A_71 : i32
    %scan3A_73 = arith.constant 1 : i32
    scf.for %scan3A_80 = %scan3A_70 to %scan3A_72 step %scan3A_73  : i32 {
      %mul3A_81 = arith.constant 1 : i32
      %mul3A_82 = arith.muli %scan3A_80, %mul3A_81 : i32
      %add3A_83 = arith.constant 0 : i32
      %add3A_84 = arith.addi %add3A_83, %mul3A_82 : i32
      %mul3A_85 = arith.constant 16 : i32
      %mul3A_86 = arith.muli %add3A_84, %mul3A_85 : i32
      %get3A = arith.index_cast %mul3A_86 : i32 to index
      %get3A_87 = tpu.vector_load %arg13[%get3A] {strides = array<i32>} : memref<256xi32, #tpu.memory_space<vmem>>, vector<16xi32>,
      %get3A_88 = arith.index_cast %mul3A_86 : i32 to index
      %get3A_89 = tpu.vector_load %arg14[%get3A_88] {strides = array<i32>} : memref<256xi32, #tpu.memory_space<vmem>>, vector<16xi32>,
      %add3A_90 = arith.constant 0 : i32
      %add3A_91 = vector.broadcast %add3A_90 : i32 to vector<16xi32>
      %add3A_92 = arith.addi %get3A_87, %add3A_91 : vector<16xi32>
      %gather3A = tpu.vector_load_idx %arg8[%add3A_92] : memref<13312xf32, #tpu.memory_space<vmem>>[vector<16xi32>], vector<16xf32>,
      %add3A_93 = arith.constant 0 : i32
      %add3A_94 = arith.addi %add3A_93, %mul3A_86 : i32
      %swap3A = arith.index_cast %add3A_94 : i32 to index
      %swap3A_95 = tpu.vector_load %arg15[%swap3A] {strides = array<i32>} : memref<3072xf32, #tpu.memory_space<vmem>>, vector<16xf32>,
      tpu.vector_store %arg15[%swap3A], %gather3A {strides = array<i32>} : memref<3072xf32, #tpu.memory_space<vmem>>, vector<16xf32>,
      %add3A_96 = arith.constant 0 : i32
      %add3A_97 = vector.broadcast %add3A_96 : i32 to vector<16xi32>
      %add3A_98 = arith.addi %get3A_89, %add3A_97 : vector<16xi32>
      %gather3A_99 = tpu.vector_load_idx %arg8[%add3A_98] : memref<13312xf32, #tpu.memory_space<vmem>>[vector<16xi32>], vector<16xf32>,
      %add3A_100 = arith.constant 0 : i32
      %add3A_101 = arith.addi %add3A_100, %mul3A_86 : i32
      %swap3A_102 = arith.index_cast %add3A_101 : i32 to index
      %swap3A_103 = tpu.vector_load %arg16[%swap3A_102] {strides = array<i32>} : memref<3072xf32, #tpu.memory_space<vmem>>, vector<16xf32>,
      tpu.vector_store %arg16[%swap3A_102], %gather3A_99 {strides = array<i32>} : memref<3072xf32, #tpu.memory_space<vmem>>, vector<16xf32>,
      %add3A_104 = arith.constant 1024 : i32
      %add3A_105 = vector.broadcast %add3A_104 : i32 to vector<16xi32>
      %add3A_106 = arith.addi %get3A_87, %add3A_105 : vector<16xi32>
      %gather3A_107 = tpu.vector_load_idx %arg8[%add3A_106] : memref<13312xf32, #tpu.memory_space<vmem>>[vector<16xi32>], vector<16xf32>,
      %add3A_108 = arith.constant 256 : i32
      %add3A_109 = arith.addi %add3A_108, %mul3A_86 : i32
      %swap3A_110 = arith.index_cast %add3A_109 : i32 to index
      %swap3A_111 = tpu.vector_load %arg15[%swap3A_110] {strides = array<i32>} : memref<3072xf32, #tpu.memory_space<vmem>>, vector<16xf32>,
      tpu.vector_store %arg15[%swap3A_110], %gather3A_107 {strides = array<i32>} : memref<3072xf32, #tpu.memory_space<vmem>>, vector<16xf32>,
      %add3A_112 = arith.constant 1024 : i32
      %add3A_113 = vector.broadcast %add3A_112 : i32 to vector<16xi32>
      %add3A_114 = arith.addi %get3A_89, %add3A_113 : vector<16xi32>
      %gather3A_115 = tpu.vector_load_idx %arg8[%add3A_114] : memref<13312xf32, #tpu.memory_space<vmem>>[vector<16xi32>], vector<16xf32>,
      %add3A_116 = arith.constant 256 : i32
      %add3A_117 = arith.addi %add3A_116, %mul3A_86 : i32
      %swap3A_118 = arith.index_cast %add3A_117 : i32 to index
      %swap3A_119 = tpu.vector_load %arg16[%swap3A_118] {strides = array<i32>} : memref<3072xf32, #tpu.memory_space<vmem>>, vector<16xf32>,
      tpu.vector_store %arg16[%swap3A_118], %gather3A_115 {strides = array<i32>} : memref<3072xf32, #tpu.memory_space<vmem>>, vector<16xf32>,
      %add3A_120 = arith.constant 2048 : i32
      %add3A_121 = vector.broadcast %add3A_120 : i32 to vector<16xi32>
      %add3A_122 = arith.addi %get3A_87, %add3A_121 : vector<16xi32>
      %gather3A_123 = tpu.vector_load_idx %arg8[%add3A_122] : memref<13312xf32, #tpu.memory_space<vmem>>[vector<16xi32>], vector<16xf32>,
      %add3A_124 = arith.constant 512 : i32
      %add3A_125 = arith.addi %add3A_124, %mul3A_86 : i32
      %swap3A_126 = arith.index_cast %add3A_125 : i32 to index
      %swap3A_127 = tpu.vector_load %arg15[%swap3A_126] {strides = array<i32>} : memref<3072xf32, #tpu.memory_space<vmem>>, vector<16xf32>,
      tpu.vector_store %arg15[%swap3A_126], %gather3A_123 {strides = array<i32>} : memref<3072xf32, #tpu.memory_space<vmem>>, vector<16xf32>,
      %add3A_128 = arith.constant 2048 : i32
      %add3A_129 = vector.broadcast %add3A_128 : i32 to vector<16xi32>
      %add3A_130 = arith.addi %get3A_89, %add3A_129 : vector<16xi32>
      %gather3A_131 = tpu.vector_load_idx %arg8[%add3A_130] : memref<13312xf32, #tpu.memory_space<vmem>>[vector<16xi32>], vector<16xf32>,
      %add3A_132 = arith.constant 512 : i32
      %add3A_133 = arith.addi %add3A_132, %mul3A_86 : i32
      %swap3A_134 = arith.index_cast %add3A_133 : i32 to index
      %swap3A_135 = tpu.vector_load %arg16[%swap3A_134] {strides = array<i32>} : memref<3072xf32, #tpu.memory_space<vmem>>, vector<16xf32>,
      tpu.vector_store %arg16[%swap3A_134], %gather3A_131 {strides = array<i32>} : memref<3072xf32, #tpu.memory_space<vmem>>, vector<16xf32>,
      %add3A_136 = arith.constant 3072 : i32
      %add3A_137 = vector.broadcast %add3A_136 : i32 to vector<16xi32>
      %add3A_138 = arith.addi %get3A_87, %add3A_137 : vector<16xi32>
      %gather3A_139 = tpu.vector_load_idx %arg8[%add3A_138] : memref<13312xf32, #tpu.memory_space<vmem>>[vector<16xi32>], vector<16xf32>,
      %add3A_140 = arith.constant 768 : i32
      %add3A_141 = arith.addi %add3A_140, %mul3A_86 : i32
      %swap3A_142 = arith.index_cast %add3A_141 : i32 to index
      %swap3A_143 = tpu.vector_load %arg15[%swap3A_142] {strides = array<i32>} : memref<3072xf32, #tpu.memory_space<vmem>>, vector<16xf32>,
      tpu.vector_store %arg15[%swap3A_142], %gather3A_139 {strides = array<i32>} : memref<3072xf32, #tpu.memory_space<vmem>>, vector<16xf32>,
      %add3A_144 = arith.constant 3072 : i32
      %add3A_145 = vector.broadcast %add3A_144 : i32 to vector<16xi32>
      %add3A_146 = arith.addi %get3A_89, %add3A_145 : vector<16xi32>
      %gather3A_147 = tpu.vector_load_idx %arg8[%add3A_146] : memref<13312xf32, #tpu.memory_space<vmem>>[vector<16xi32>], vector<16xf32>,
      %add3A_148 = arith.constant 768 : i32
      %add3A_149 = arith.addi %add3A_148, %mul3A_86 : i32
      %swap3A_150 = arith.index_cast %add3A_149 : i32 to index
      %swap3A_151 = tpu.vector_load %arg16[%swap3A_150] {strides = array<i32>} : memref<3072xf32, #tpu.memory_space<vmem>>, vector<16xf32>,
      tpu.vector_store %arg16[%swap3A_150], %gather3A_147 {strides = array<i32>} : memref<3072xf32, #tpu.memory_space<vmem>>, vector<16xf32>,
      %add3A_152 = arith.constant 4096 : i32
      %add3A_153 = vector.broadcast %add3A_152 : i32 to vector<16xi32>
      %add3A_154 = arith.addi %get3A_87, %add3A_153 : vector<16xi32>
      %gather3A_155 = tpu.vector_load_idx %arg8[%add3A_154] : memref<13312xf32, #tpu.memory_space<vmem>>[vector<16xi32>], vector<16xf32>,
      %add3A_156 = arith.constant 1024 : i32
      %add3A_157 = arith.addi %add3A_156, %mul3A_86 : i32
      %swap3A_158 = arith.index_cast %add3A_157 : i32 to index
      %swap3A_159 = tpu.vector_load %arg15[%swap3A_158] {strides = array<i32>} : memref<3072xf32, #tpu.memory_space<vmem>>, vector<16xf32>,
      tpu.vector_store %arg15[%swap3A_158], %gather3A_155 {strides = array<i32>} : memref<3072xf32, #tpu.memory_space<vmem>>, vector<16xf32>,
      %add3A_160 = arith.constant 4096 : i32
      %add3A_161 = vector.broadcast %add3A_160 : i32 to vector<16xi32>
      %add3A_162 = arith.addi %get3A_89, %add3A_161 : vector<16xi32>
      %gather3A_163 = tpu.vector_load_idx %arg8[%add3A_162] : memref<13312xf32, #tpu.memory_space<vmem>>[vector<16xi32>], vector<16xf32>,
      %add3A_164 = arith.constant 1024 : i32
      %add3A_165 = arith.addi %add3A_164, %mul3A_86 : i32
      %swap3A_166 = arith.index_cast %add3A_165 : i32 to index
      %swap3A_167 = tpu.vector_load %arg16[%swap3A_166] {strides = array<i32>} : memref<3072xf32, #tpu.memory_space<vmem>>, vector<16xf32>,
      tpu.vector_store %arg16[%swap3A_166], %gather3A_163 {strides = array<i32>} : memref<3072xf32, #tpu.memory_space<vmem>>, vector<16xf32>,
      %add3A_168 = arith.constant 5120 : i32
      %add3A_169 = vector.broadcast %add3A_168 : i32 to vector<16xi32>
      %add3A_170 = arith.addi %get3A_87, %add3A_169 : vector<16xi32>
      %gather3A_171 = tpu.vector_load_idx %arg8[%add3A_170] : memref<13312xf32, #tpu.memory_space<vmem>>[vector<16xi32>], vector<16xf32>,
      %add3A_172 = arith.constant 1280 : i32
      %add3A_173 = arith.addi %add3A_172, %mul3A_86 : i32
      %swap3A_174 = arith.index_cast %add3A_173 : i32 to index
      %swap3A_175 = tpu.vector_load %arg15[%swap3A_174] {strides = array<i32>} : memref<3072xf32, #tpu.memory_space<vmem>>, vector<16xf32>,
      tpu.vector_store %arg15[%swap3A_174], %gather3A_171 {strides = array<i32>} : memref<3072xf32, #tpu.memory_space<vmem>>, vector<16xf32>,
      %add3A_176 = arith.constant 5120 : i32
      %add3A_177 = vector.broadcast %add3A_176 : i32 to vector<16xi32>
      %add3A_178 = arith.addi %get3A_89, %add3A_177 : vector<16xi32>
      %gather3A_179 = tpu.vector_load_idx %arg8[%add3A_178] : memref<13312xf32, #tpu.memory_space<vmem>>[vector<16xi32>], vector<16xf32>,
      %add3A_180 = arith.constant 1280 : i32
      %add3A_181 = arith.addi %add3A_180, %mul3A_86 : i32
      %swap3A_182 = arith.index_cast %add3A_181 : i32 to index
      %swap3A_183 = tpu.vector_load %arg16[%swap3A_182] {strides = array<i32>} : memref<3072xf32, #tpu.memory_space<vmem>>, vector<16xf32>,
      tpu.vector_store %arg16[%swap3A_182], %gather3A_179 {strides = array<i32>} : memref<3072xf32, #tpu.memory_space<vmem>>, vector<16xf32>,
      %add3A_184 = arith.constant 6144 : i32
      %add3A_185 = vector.broadcast %add3A_184 : i32 to vector<16xi32>
      %add3A_186 = arith.addi %get3A_87, %add3A_185 : vector<16xi32>
      %gather3A_187 = tpu.vector_load_idx %arg8[%add3A_186] : memref<13312xf32, #tpu.memory_space<vmem>>[vector<16xi32>], vector<16xf32>,
      %add3A_188 = arith.constant 1536 : i32
      %add3A_189 = arith.addi %add3A_188, %mul3A_86 : i32
      %swap3A_190 = arith.index_cast %add3A_189 : i32 to index
      %swap3A_191 = tpu.vector_load %arg15[%swap3A_190] {strides = array<i32>} : memref<3072xf32, #tpu.memory_space<vmem>>, vector<16xf32>,
      tpu.vector_store %arg15[%swap3A_190], %gather3A_187 {strides = array<i32>} : memref<3072xf32, #tpu.memory_space<vmem>>, vector<16xf32>,
      %add3A_192 = arith.constant 6144 : i32
      %add3A_193 = vector.broadcast %add3A_192 : i32 to vector<16xi32>
      %add3A_194 = arith.addi %get3A_89, %add3A_193 : vector<16xi32>
      %gather3A_195 = tpu.vector_load_idx %arg8[%add3A_194] : memref<13312xf32, #tpu.memory_space<vmem>>[vector<16xi32>], vector<16xf32>,
      %add3A_196 = arith.constant 1536 : i32
      %add3A_197 = arith.addi %add3A_196, %mul3A_86 : i32
      %swap3A_198 = arith.index_cast %add3A_197 : i32 to index
      %swap3A_199 = tpu.vector_load %arg16[%swap3A_198] {strides = array<i32>} : memref<3072xf32, #tpu.memory_space<vmem>>, vector<16xf32>,
      tpu.vector_store %arg16[%swap3A_198], %gather3A_195 {strides = array<i32>} : memref<3072xf32, #tpu.memory_space<vmem>>, vector<16xf32>,
      %add3A_200 = arith.constant 7168 : i32
      %add3A_201 = vector.broadcast %add3A_200 : i32 to vector<16xi32>
      %add3A_202 = arith.addi %get3A_87, %add3A_201 : vector<16xi32>
      %gather3A_203 = tpu.vector_load_idx %arg8[%add3A_202] : memref<13312xf32, #tpu.memory_space<vmem>>[vector<16xi32>], vector<16xf32>,
      %add3A_204 = arith.constant 1792 : i32
      %add3A_205 = arith.addi %add3A_204, %mul3A_86 : i32
      %swap3A_206 = arith.index_cast %add3A_205 : i32 to index
      %swap3A_207 = tpu.vector_load %arg15[%swap3A_206] {strides = array<i32>} : memref<3072xf32, #tpu.memory_space<vmem>>, vector<16xf32>,
      tpu.vector_store %arg15[%swap3A_206], %gather3A_203 {strides = array<i32>} : memref<3072xf32, #tpu.memory_space<vmem>>, vector<16xf32>,
      %add3A_208 = arith.constant 7168 : i32
      %add3A_209 = vector.broadcast %add3A_208 : i32 to vector<16xi32>
      %add3A_210 = arith.addi %get3A_89, %add3A_209 : vector<16xi32>
      %gather3A_211 = tpu.vector_load_idx %arg8[%add3A_210] : memref<13312xf32, #tpu.memory_space<vmem>>[vector<16xi32>], vector<16xf32>,
      %add3A_212 = arith.constant 1792 : i32
      %add3A_213 = arith.addi %add3A_212, %mul3A_86 : i32
      %swap3A_214 = arith.index_cast %add3A_213 : i32 to index
      %swap3A_215 = tpu.vector_load %arg16[%swap3A_214] {strides = array<i32>} : memref<3072xf32, #tpu.memory_space<vmem>>, vector<16xf32>,
      tpu.vector_store %arg16[%swap3A_214], %gather3A_211 {strides = array<i32>} : memref<3072xf32, #tpu.memory_space<vmem>>, vector<16xf32>,
      %add3A_216 = arith.constant 8192 : i32
      %add3A_217 = vector.broadcast %add3A_216 : i32 to vector<16xi32>
      %add3A_218 = arith.addi %get3A_87, %add3A_217 : vector<16xi32>
      %gather3A_219 = tpu.vector_load_idx %arg8[%add3A_218] : memref<13312xf32, #tpu.memory_space<vmem>>[vector<16xi32>], vector<16xf32>,
      %add3A_220 = arith.constant 2048 : i32
      %add3A_221 = arith.addi %add3A_220, %mul3A_86 : i32
      %swap3A_222 = arith.index_cast %add3A_221 : i32 to index
      %swap3A_223 = tpu.vector_load %arg15[%swap3A_222] {strides = array<i32>} : memref<3072xf32, #tpu.memory_space<vmem>>, vector<16xf32>,
      tpu.vector_store %arg15[%swap3A_222], %gather3A_219 {strides = array<i32>} : memref<3072xf32, #tpu.memory_space<vmem>>, vector<16xf32>,
      %add3A_224 = arith.constant 8192 : i32
      %add3A_225 = vector.broadcast %add3A_224 : i32 to vector<16xi32>
      %add3A_226 = arith.addi %get3A_89, %add3A_225 : vector<16xi32>
      %gather3A_227 = tpu.vector_load_idx %arg8[%add3A_226] : memref<13312xf32, #tpu.memory_space<vmem>>[vector<16xi32>], vector<16xf32>,
      %add3A_228 = arith.constant 2048 : i32
      %add3A_229 = arith.addi %add3A_228, %mul3A_86 : i32
      %swap3A_230 = arith.index_cast %add3A_229 : i32 to index
      %swap3A_231 = tpu.vector_load %arg16[%swap3A_230] {strides = array<i32>} : memref<3072xf32, #tpu.memory_space<vmem>>, vector<16xf32>,
      tpu.vector_store %arg16[%swap3A_230], %gather3A_227 {strides = array<i32>} : memref<3072xf32, #tpu.memory_space<vmem>>, vector<16xf32>,
      %add3A_232 = arith.constant 9216 : i32
      %add3A_233 = vector.broadcast %add3A_232 : i32 to vector<16xi32>
      %add3A_234 = arith.addi %get3A_87, %add3A_233 : vector<16xi32>
      %gather3A_235 = tpu.vector_load_idx %arg8[%add3A_234] : memref<13312xf32, #tpu.memory_space<vmem>>[vector<16xi32>], vector<16xf32>,
      %add3A_236 = arith.constant 2304 : i32
      %add3A_237 = arith.addi %add3A_236, %mul3A_86 : i32
      %swap3A_238 = arith.index_cast %add3A_237 : i32 to index
      %swap3A_239 = tpu.vector_load %arg15[%swap3A_238] {strides = array<i32>} : memref<3072xf32, #tpu.memory_space<vmem>>, vector<16xf32>,
      tpu.vector_store %arg15[%swap3A_238], %gather3A_235 {strides = array<i32>} : memref<3072xf32, #tpu.memory_space<vmem>>, vector<16xf32>,
      %add3A_240 = arith.constant 9216 : i32
      %add3A_241 = vector.broadcast %add3A_240 : i32 to vector<16xi32>
      %add3A_242 = arith.addi %get3A_89, %add3A_241 : vector<16xi32>
      %gather3A_243 = tpu.vector_load_idx %arg8[%add3A_242] : memref<13312xf32, #tpu.memory_space<vmem>>[vector<16xi32>], vector<16xf32>,
      %add3A_244 = arith.constant 2304 : i32
      %add3A_245 = arith.addi %add3A_244, %mul3A_86 : i32
      %swap3A_246 = arith.index_cast %add3A_245 : i32 to index
      %swap3A_247 = tpu.vector_load %arg16[%swap3A_246] {strides = array<i32>} : memref<3072xf32, #tpu.memory_space<vmem>>, vector<16xf32>,
      tpu.vector_store %arg16[%swap3A_246], %gather3A_243 {strides = array<i32>} : memref<3072xf32, #tpu.memory_space<vmem>>, vector<16xf32>,
      %add3A_248 = arith.constant 10240 : i32
      %add3A_249 = vector.broadcast %add3A_248 : i32 to vector<16xi32>
      %add3A_250 = arith.addi %get3A_87, %add3A_249 : vector<16xi32>
      %gather3A_251 = tpu.vector_load_idx %arg8[%add3A_250] : memref<13312xf32, #tpu.memory_space<vmem>>[vector<16xi32>], vector<16xf32>,
      %add3A_252 = arith.constant 2560 : i32
      %add3A_253 = arith.addi %add3A_252, %mul3A_86 : i32
      %swap3A_254 = arith.index_cast %add3A_253 : i32 to index
      %swap3A_255 = tpu.vector_load %arg15[%swap3A_254] {strides = array<i32>} : memref<3072xf32, #tpu.memory_space<vmem>>, vector<16xf32>,
      tpu.vector_store %arg15[%swap3A_254], %gather3A_251 {strides = array<i32>} : memref<3072xf32, #tpu.memory_space<vmem>>, vector<16xf32>,
      %add3A_256 = arith.constant 10240 : i32
      %add3A_257 = vector.broadcast %add3A_256 : i32 to vector<16xi32>
      %add3A_258 = arith.addi %get3A_89, %add3A_257 : vector<16xi32>
      %gather3A_259 = tpu.vector_load_idx %arg8[%add3A_258] : memref<13312xf32, #tpu.memory_space<vmem>>[vector<16xi32>], vector<16xf32>,
      %add3A_260 = arith.constant 2560 : i32
      %add3A_261 = arith.addi %add3A_260, %mul3A_86 : i32
      %swap3A_262 = arith.index_cast %add3A_261 : i32 to index
      %swap3A_263 = tpu.vector_load %arg16[%swap3A_262] {strides = array<i32>} : memref<3072xf32, #tpu.memory_space<vmem>>, vector<16xf32>,
      tpu.vector_store %arg16[%swap3A_262], %gather3A_259 {strides = array<i32>} : memref<3072xf32, #tpu.memory_space<vmem>>, vector<16xf32>,
      %add3A_264 = arith.constant 11264 : i32
      %add3A_265 = vector.broadcast %add3A_264 : i32 to vector<16xi32>
      %add3A_266 = arith.addi %get3A_87, %add3A_265 : vector<16xi32>
      %gather3A_267 = tpu.vector_load_idx %arg8[%add3A_266] : memref<13312xf32, #tpu.memory_space<vmem>>[vector<16xi32>], vector<16xf32>,
      %add3A_268 = arith.constant 2816 : i32
      %add3A_269 = arith.addi %add3A_268, %mul3A_86 : i32
      %swap3A_270 = arith.index_cast %add3A_269 : i32 to index
      %swap3A_271 = tpu.vector_load %arg15[%swap3A_270] {strides = array<i32>} : memref<3072xf32, #tpu.memory_space<vmem>>, vector<16xf32>,
      tpu.vector_store %arg15[%swap3A_270], %gather3A_267 {strides = array<i32>} : memref<3072xf32, #tpu.memory_space<vmem>>, vector<16xf32>,
      %add3A_272 = arith.constant 11264 : i32
      %add3A_273 = vector.broadcast %add3A_272 : i32 to vector<16xi32>
      %add3A_274 = arith.addi %get3A_89, %add3A_273 : vector<16xi32>
      %gather3A_275 = tpu.vector_load_idx %arg8[%add3A_274] : memref<13312xf32, #tpu.memory_space<vmem>>[vector<16xi32>], vector<16xf32>,
      %add3A_276 = arith.constant 2816 : i32
      %add3A_277 = arith.addi %add3A_276, %mul3A_86 : i32
      %swap3A_278 = arith.index_cast %add3A_277 : i32 to index
      %swap3A_279 = tpu.vector_load %arg16[%swap3A_278] {strides = array<i32>} : memref<3072xf32, #tpu.memory_space<vmem>>, vector<16xf32>,
      tpu.vector_store %arg16[%swap3A_278], %gather3A_275 {strides = array<i32>} : memref<3072xf32, #tpu.memory_space<vmem>>, vector<16xf32>,
    }
    %scan3A_74 = arith.constant 16 : i32
    %mul3A_75 = arith.constant 96 : i32
    %mul3A_76 = arith.muli %select_n3A_9, %mul3A_75 : i32
    %add3A_77 = arith.addi %mul3A_76, %mul3A_32 : i32
    %mul3A_78 = arith.constant 256 : i32
    %mul3A_79 = arith.muli %add3A_77, %mul3A_78 : i32
    "tpu.region"() ({
      %run_scoped3A = tpu.sem_alloc : memref<!tpu.dma_semaphore, #tpu.memory_space<semaphore_mem>>
      %dma_start3A_80 = tpu.memref_slice %arg6[%mul3A_79] : memref<98304xf32, #tpu.memory_space<hbm>> -> memref<3072xf32, #tpu.memory_space<hbm>>
      %dma_start3A_81 = tpu.memref_slice %arg6[%mul3A_79] : memref<98304xf32, #tpu.memory_space<hbm>> -> memref<3072xf32, #tpu.memory_space<hbm>>
      tpu.enqueue_dma source(%arg15 : memref<3072xf32, #tpu.memory_space<vmem>>) target(%dma_start3A_81 : memref<3072xf32, #tpu.memory_space<hbm>>) target_semaphore(%run_scoped3A : memref<!tpu.dma_semaphore, #tpu.memory_space<semaphore_mem>>)
      %dma_wait3A = tpu.memref_slice %arg6[%mul3A_79] : memref<98304xf32, #tpu.memory_space<hbm>> -> memref<3072xf32, #tpu.memory_space<hbm>>
      %dma_wait3A_82 = tpu.memref_slice %arg6[%mul3A_79] : memref<98304xf32, #tpu.memory_space<hbm>> -> memref<3072xf32, #tpu.memory_space<hbm>>
      tpu.wait_dma2 semaphore(%run_scoped3A : memref<!tpu.dma_semaphore, #tpu.memory_space<semaphore_mem>>) src(%arg15 : memref<3072xf32, #tpu.memory_space<vmem>>) dst(%dma_wait3A_82 : memref<3072xf32, #tpu.memory_space<hbm>>)
      tpu.yield
    }) : () -> ()
    "tpu.region"() ({
      %run_scoped3A = tpu.sem_alloc : memref<!tpu.dma_semaphore, #tpu.memory_space<semaphore_mem>>
      %dma_start3A_80 = tpu.memref_slice %arg7[%mul3A_79] : memref<98304xf32, #tpu.memory_space<hbm>> -> memref<3072xf32, #tpu.memory_space<hbm>>
      %dma_start3A_81 = tpu.memref_slice %arg7[%mul3A_79] : memref<98304xf32, #tpu.memory_space<hbm>> -> memref<3072xf32, #tpu.memory_space<hbm>>
      tpu.enqueue_dma source(%arg16 : memref<3072xf32, #tpu.memory_space<vmem>>) target(%dma_start3A_81 : memref<3072xf32, #tpu.memory_space<hbm>>) target_semaphore(%run_scoped3A : memref<!tpu.dma_semaphore, #tpu.memory_space<semaphore_mem>>)
      %dma_wait3A = tpu.memref_slice %arg7[%mul3A_79] : memref<98304xf32, #tpu.memory_space<hbm>> -> memref<3072xf32, #tpu.memory_space<hbm>>
      %dma_wait3A_82 = tpu.memref_slice %arg7[%mul3A_79] : memref<98304xf32, #tpu.memory_space<hbm>> -> memref<3072xf32, #tpu.memory_space<hbm>>
      tpu.wait_dma2 semaphore(%run_scoped3A : memref<!tpu.dma_semaphore, #tpu.memory_space<semaphore_mem>>) src(%arg16 : memref<3072xf32, #tpu.memory_space<vmem>>) dst(%dma_wait3A_82 : memref<3072xf32, #tpu.memory_space<hbm>>)
      tpu.yield
    }) : () -> ()
    return
  }
}

</mosaic_0001>

<sc_bundles>
// kernel: kernel.3.cloned.1.call-start
scs
__scs_entry_jumppad:
0x0: {  	(pc) =	sbr.rel $0x88, $3  }
0x1: {  	(tag) =	ssettag $0x0;
	lr =	simm.s32 $0x1  }
0x2: {  	[smem:$0x3F9E] =	sst lr;
	_ =	strace $0xD0000000  }
0x3: {  	_ = 	snop  }
0x4: {  	_ = 	snop  }
0x5: {  	_ = 	snop  }
0x6: {  	_ = 	snop  }
0x7: {  	_ = 	snop  }
__scs_overlays_trampoline_lowered:
0x8: {  	[smem:$0x3FAD] =	sst s0  }
0x9: {  	[smem:$0x3FAE] =	sst s1  }
0xa: {  	[smem:$0x3FAF] =	sst s2  }
0xb: {  	[smem:$0x3FB0] =	sst s3  }
0xc: {  	[smem:$0x3FB1] =	sst s4  }
0xd: {  	[smem:$0x3FB2] =	sst s5  }
0xe: {  	[smem:$0x3FB3] =	sst s6  }
0xf: {  	[smem:$0x3FB4] =	sst s7  }
0x10: {  	[smem:$0x3FB5] =	sst s8  }
0x11: {  	[smem:$0x3FB6] =	sst s9;
	s0 =	simm.s32 @!p0 $0x0  }
0x12: {  	s1 =	sld [smem:$0x3F9C];
	s0 =	simm.s32 @p0 $0x1  }
0x13: {  	[smem:$0x3FB7] =	sst s0;
	s0 =	simm.s32 @!p1 $0x0  }
0x14: {  	s2 =	sld [smem:$0x3F9B];
	s0 =	simm.s32 @p1 $0x1  }
0x15: {  	[smem:$0x3FB8] =	sst s0;
	s0 =	simm.s32 @!p2 $0x0  }
0x16: {  	s3 =	sld [smem:$0x3FDB];
	s0 =	simm.s32 @p2 $0x1  }
0x17: {  	s4 =	simm.s32 $0x1BF5;
	[smem:$0x3FBA] =	sst s0  }
0x18: {  	s0 =	sld [smem:$0x3F9D];
	_ =	swait.ge [sflag:s4], $0x0  }
0x19: {  	s7 =	sld [smem:$0x3F9E]  }
0x1a: {  	s8 =	sadd.s32 $0xFFFFE003, lr  }
0x1b: {  	s9 =	sadd.s32 $0xFFFFFEF7, lr;
	s5 =	simm.s32 $0xFFFFFFFF;
	p2 =	slt.u32 s8, $0xFFFFF086  }
0x1c: {  	p1 =	slt.u32 s9, $0xF7A;
	s5 =	simm.s32 @!p2 $0x0  }
0x1d: {  	s5 =	simm.s32 @p1 $0x1;
	p0 =	seq.s32 s7, s2  }
0x1e: {  	s7 =	smul.u32 @!p0 $0xF7A, s2;
	p2 =	seq.s32 @!p0 s5, $0x0  }
0x1f: {  	s9 =	smul.u32 $0xF7A, s1;
	s8 =	simm.s32 @!p0 $0x1BF5;
	p2 =	por !p2, p0  }
0x20: {  	[sflag:s8] =	ssyncset.s32 @!p0 $0xFFFFF086;
	s6 =	sadd.s32 @!p0 s3, s7;
	s7 =	simm.s32 @!p0 $0x108  }
0x21: {  	s3 =	sadd.s32 s3, s9;
	s6 =	sadd.s32 @!p0 $0x88, s6;
	s7 =	simm.s32 @p2 $0x1082  }
0x22: {  	[simem:s7], [sflag:s8] =	dma.local @!p0 [hbm:s6], $0xF7A  }
0x23: {  	s9 =	sor.u32 $0xD0000000, s2;
	s6 =	simm.s32 $0x108;
	_ =	swait.ge @!p0 [sflag:s8], $0x0  }
0x24: {  	s3 =	sadd.s32 $0x88, s3;
	s6 =	simm.s32 @!p1 $0x1082;
	[sflag:s4] =	ssyncset.s32 $0xFFFFF086  }
0x25: {  	[simem:s6], [sflag:s4] =	dma.local [hbm:s3], $0xF7A  }
0x26: {  	[smem:$0x3F9E] =	sst s1;
	(tag) =	ssettag s2;
	_ =	strace s9  }
0x27: {  	s1 =	sld [smem:$0x3FAE]  }
0x28: {  	s2 =	sld [smem:$0x3FAF]  }
0x29: {  	s4 =	sld [smem:$0x3FB1]  }
0x2a: {  	p0 =	seq.s32 s5, $0x0;
	s5 =	sld [smem:$0x3FB2]  }
0x2b: {  	s6 =	sld [smem:$0x3FB3]  }
0x2c: {  	s7 =	sld [smem:$0x3FB4]  }
0x2d: {  	s3 =	simm.s32 $0x108;
	s8 =	sld [smem:$0x3FB5]  }
0x2e: {  	s3 =	simm.s32 @!p0 $0x1082;
	s9 =	sld [smem:$0x3FB6]  }
0x2f: {  	lr =	sadd.s32 s0, s3;
	s0 =	sld [smem:$0x3FAD]  }
0x30: {  	s3 =	sld [smem:$0x3FB0]  }
0x31: {  	[smem:$0x3FB9] =	sst s10  }
0x32: {  	s10 =	sld [smem:$0x3FB7];
	_ =	sdelay $0x3  }
0x33: {  	p0 =	seq.s32 s10, $0x1;
	s10 =	sld [smem:$0x3FB9];
	_ =	sdelay $0x3  }
0x34: {  	[smem:$0x3FB9] =	sst s10  }
0x35: {  	s10 =	sld [smem:$0x3FB8];
	_ =	sdelay $0x3  }
0x36: {  	p1 =	seq.s32 s10, $0x1;
	s10 =	sld [smem:$0x3FB9];
	_ =	sdelay $0x3  }
0x37: {  	[smem:$0x3FB9] =	sst s10  }
0x38: {  	s10 =	sld [smem:$0x3FBA]  }
0x39: {  	_ = 	snop;
	(pc) =	sbr.ind lr, $3  }
0x3a: {  	_ = 	snop  }
0x3b: {  	_ = 	snop  }
0x3c: {  	p2 =	seq.s32 s10, $0x1;
	s10 =	sld [smem:$0x3FB9]  }
0x3d: {  	_ =	shalt  }
0x3e: {  	_ =	shalt  }
0x3f: {  	_ =	shalt  }
0x40: {  	_ =	shalt  }
0x41: {  	_ =	shalt  }
0x42: {  	_ =	shalt  }
0x43: {  	_ =	shalt  }
0x44: {  	_ =	shalt  }
0x45: {  	_ =	shalt  }
0x46: {  	_ =	shalt  }
0x47: {  	_ =	shalt  }
0x48: {  	_ =	shalt  }
0x49: {  	_ =	shalt  }
0x4a: {  	_ =	shalt  }
0x4b: {  	_ =	shalt  }
0x4c: {  	_ =	shalt  }
0x4d: {  	_ =	shalt  }
0x4e: {  	_ =	shalt  }
0x4f: {  	_ =	shalt  }
0x50: {  	_ =	shalt  }
0x51: {  	_ =	shalt  }
0x52: {  	_ =	shalt  }
0x53: {  	_ =	shalt  }
0x54: {  	_ =	shalt  }
0x55: {  	_ =	shalt  }
0x56: {  	_ =	shalt  }
0x57: {  	_ =	shalt  }
0x58: {  	_ =	shalt  }
0x59: {  	_ =	shalt  }
0x5a: {  	_ =	shalt  }
0x5b: {  	_ =	shalt  }
0x5c: {  	_ =	shalt  }
0x5d: {  	_ =	shalt  }
0x5e: {  	_ =	shalt  }
0x5f: {  	_ =	shalt  }
0x60: {  	_ =	shalt  }
0x61: {  	_ =	shalt  }
0x62: {  	_ =	shalt  }
0x63: {  	_ =	shalt  }
0x64: {  	_ =	shalt  }
0x65: {  	_ =	shalt  }
0x66: {  	_ =	shalt  }
0x67: {  	_ =	shalt  }
0x68: {  	_ =	shalt  }
0x69: {  	_ =	shalt  }
0x6a: {  	_ =	shalt  }
0x6b: {  	_ =	shalt  }
0x6c: {  	_ =	shalt  }
0x6d: {  	_ =	shalt  }
0x6e: {  	_ =	shalt  }
0x6f: {  	_ =	shalt  }
0x70: {  	_ =	shalt  }
0x71: {  	_ =	shalt  }
0x72: {  	_ =	shalt  }
0x73: {  	_ =	shalt  }
0x74: {  	_ =	shalt  }
0x75: {  	_ =	shalt  }
0x76: {  	_ =	shalt  }
0x77: {  	_ =	shalt  }
0x78: {  	_ =	shalt  }
0x79: {  	_ =	shalt  }
0x7a: {  	_ =	shalt  }
0x7b: {  	_ =	shalt  }
0x7c: {  	_ =	shalt  }
0x7d: {  	_ =	shalt  }
0x7e: {  	_ =	shalt  }
0x7f: {  	_ =	shalt  }
0x80: {  	_ =	shalt  }
0x81: {  	_ =	shalt  }
0x82: {  	_ =	shalt  }
0x83: {  	_ =	shalt  }
0x84: {  	_ =	shalt  }
0x85: {  	_ =	shalt  }
0x86: {  	_ =	shalt  }
0x87: {  	_ =	shalt  }
.Lfunc_end0:
.L_simem_size_0:
called_computation_lowered:
.L_overlay_start_0:
0x88: {  	s2 =	sld [smem:$0x3FD9]  }
0x89: {  	s3 =	sld [smem:$0x3FFE];
	_ =	sdelay $0x1  }
0x8a: {  	s1 =	srdreg.scid  }
0x8b: {  	s0 =	sand.u32 $0x1, s1  }
0x8c: {  	s14 =	sshll.u32 s0, $0xA;
	s2 =	sadd.s32 s3, s2  }
0x8d: {  	s2 =	sadd.s32 s2, s14  }
0x8e: {  	[smem:$0x3FC5] =	sst s2  }
0x8f: {  	_ = 	snop  }
0x90: {  	s2 =	sld [smem:$0x3FD0];
	_ =	sdelay $0x1  }
0x91: {  	s15 =	sld [smem:$0x3FC9]  }
0x92: {  	s5 =	simm.s32 $0xA;
	s6 =	simm.s32 $0x10;
	s4 =	sld [smem:$0x3FC8]  }
0x93: {  	[smem:s6], [sflag:s5] =	dma.local [hbm:s2], $0x1  }
0x94: {  	_ =	swait.eq [sflag:s5], $0x1  }
0x95: {  	[sflag:s5] =	ssyncset.done $0x0  }
0x96: {  	s16 =	sld [smem:$0x10];
	[sflag:s5] =	ssyncadd.s32 $0xFFFFFFFF  }
0x97: {  	s17 =	sld [smem:$0x11];
	(tm) =	ssettm $0x1  }
0x98: {  	s18 =	sld [smem:$0x3FFB];
	_ =	sdelay $0x3  }
0x99: {  	_ =	strace s18  }
0x9a: {  	s6 =	sld [smem:$0x3FFC];
	_ =	sdelay $0x3  }
0x9b: {  	_ =	strace s6  }
0x9c: {  	s6 =	sld [smem:$0x3FFD];
	_ =	sdelay $0x3  }
0x9d: {  	_ =	strace s6  }
0x9e: {  	_ =	strace $0x8FFFFFFF  }
0x9f: {  	s19 =	sld [smem:$0x3FDB];
	_ =	sdelay $0x1  }
0xa0: {  	s7 =	simm.s32 $_scs_section_size  }
0xa1: {  	s8 =	simm.s32 $_size__tile_overlayer_lowered;
	s9 =	simm.s32 $_tile_overlayer_lowered  }
0xa2: {  	s22 =	simm.s32 $0x1BFF;
	s21 =	sshll.u32 s9, $0x1;
	s6 =	sadd.s32 s7, s19  }
0xa3: {  	s10 =	simm.s32 $0x0;
	s20 =	sshll.u32 s8, $0x1;
	s8 =	sadd.s32 s21, s6  }
0xa4: {  	[timem:s10], [sflag:s22] =	dma.local [hbm:s8], s20  }
0xa5: {  	_ =	swait.ge [sflag:s22], s20  }
0xa6: {  	s7 =	ssub.s32 $0x0, s20;
	[sflag:s22] =	ssyncset.done $0x0  }
0xa7: {  	[sflag:s22] =	ssyncadd.s32 s7;
	_ =	sdelay $0x1  }
0xa8: {  	s23 =	simm.s32 $0x1B8B  }
0xa9: {  	_ =	swait.ge [sflag:s23], $0x1  }
0xaa: {  	[sflag:s23] =	ssyncset.done $0x0  }
0xab: {  	s25 =	simm.s32 $0x1B8E;
	s24 =	sld [smem:$0x3FFE];
	[sflag:s23] =	ssyncadd.s32 $0xFFFFFFFF  }
0xac: {  	s26 =	simm.s32 $execute0_lowered;
	[smem:$0x3FD2] =	sst s25  }
0xad: {  	s8 =	sshll.u32 s26, $0x1;
	_ =	strace $0x80000046;
	[dreg:$0x1] =	wrdreg $0xFFFFFFFF  }
0xae: {  	s28 =	simm.s32 $_size_execute0_lowered;
	s6 =	sadd.s32 s6, s8;
	[dreg:$0x0] =	wrdreg $0x0  }
0xaf: {  	s8 =	sshll.u32 s28, $0x1;
	[dreg:$0x2] =	wrdreg s6  }
0xb0: {  	[dreg:$0x3] =	wrdreg s8  }
0xb1: {  	[dreg:$0x4] =	wrdreg $0xC0  }
0xb2: {  	_ =	task [dreg:s10], $0x5FFFF  }
0xb3: {  	[dreg:$0x1] =	wrdreg $0xFFFFFFFF  }
0xb4: {  	[dreg:$0x0] =	wrdreg $0x60  }
0xb5: {  	[dreg:$0x2] =	wrdreg s15  }
0xb6: {  	[dreg:$0x3] =	wrdreg s4  }
0xb7: {  	[dreg:$0x4] =	wrdreg s16  }
0xb8: {  	[dreg:$0x5] =	wrdreg s24  }
0xb9: {  	[dreg:$0x6] =	wrdreg s17  }
0xba: {  	[dreg:$0x7] =	wrdreg $0x9  }
0xbb: {  	_ =	task.clear_ibuf [dreg:s10], $0x8FFFF;
	_ =	strace $0x90000046  }
0xbc: {  	s29 =	simm.s32 $0x9;
	_ =	strace $0x80000048  }
0xbd: {  	_ =	swait.ge [sflag:s29], $0x1  }
0xbe: {  	[sflag:s29] =	ssyncadd.s32 $0xFFFFFFFF  }
0xbf: {  	_ =	strace $0x90000048  }
0xc0: {  	_ =	sfence  }
0xc1: {  	s30 =	sld [smem:$0x0];
	_ =	sdelay $0x2  }
0xc2: {  	s31 =	sshll.u32 s1, $0xD;
	s1 =	sshrl.u32 s1, $0x2  }
0xc3: {  	s3 =	sand.u32 $0x4000, s31;
	s1 =	sadd.s32 s1, s30  }
0xc4: {  	s0 =	sor.u32 s3, s0;
	s1 =	sshll.u32 s1, $0x11  }
0xc5: {  	s0 =	sor.u32 s1, s0  }
0xc6: {  	s0 =	sadd.s32 $0x8F2B, s0  }
0xc7: {  	[sflag:s0] =	ssyncadd.remote.s32 $0x1  }
0xc8: {  	_ =	sfence.sel $0xFFFF  }
0xc9: {  	[dreg:$0x0] =	wrdreg $0xFFFFFFFF;
	(pc) =	sbr.abs _section_cstart, $3  }
0xca: {  	[dreg:$0x1] =	wrdreg $0xFFFFFFFF  }
0xcb: {  	_ =	task.clear_ibuf [dreg:s10], $0x2FFFF;
	_ =	strace $0x9FFFFFFF  }
0xcc: {  	(tm) =	ssettm $0x7FFFFFFF  }
0xcd: {  	_ =	shalt  }
tec
execute0_lowered:
.L_overlay_start_1:
0x0: {  	(tag) =	ssettag $0x1  }
0x1: {  	s12 =	rddreg [dreg:$0x0]  }
0x2: {  	s13 =	rddreg [dreg:$0x1]  }
0x3: {  	s0 =	rddreg [dreg:$0x2]  }
0x4: {  	s1 =	rddreg [dreg:$0x3]  }
0x5: {  	s2 =	rddreg [dreg:$0x4];
	s6 =	stileid.u32  }
0x6: {  	s3 =	srdreg.scid;
	s4 =	sshll.u32 s6, $0x1;
	s6 =	sshrl.u32 s6, $0x1  }
0x7: {  	s3 =	sand.u32 $0x1, s3;
	s5 =	sand.u32 $0x2, s4;
	s7 =	smul.u32 $0xC, s6  }
0x8: {  	s4 =	simm.s32 $0x0;
	s6 =	smul.u32 $0x1B0000, s6;
	s5 =	sor.u32 s3, s5  }
0x9: {  	[smem:$0x7FF] =	sst s4;
	s8 =	smul.u32 $0x60, s5  }
0xa: {  	s3 =	ssub.s32 $0x2, s3;
	_ =	strace $0x80000047;
	s23 =	smul.u32 $0x24000, s5  }
0xb: {  	s9 =	sshll.u32 s5, $0x5;
	s10 =	smul.u32 $0xD80000, s5;
	s24 =	sshrl.u32 s3, $0x1  }
0xc: {  	s11 =	sadd.s32 s9, s1;
	s0 =	sadd.s32 s0, s9;
	[dreg:$0x18] =	wrdreg s23  }
0xd: {  	s3 =	ssub.s32 s3, s24;
	s6 =	sadd.s32 s6, s10;
	[dreg:$0x1c] =	wrdreg s0  }
0xe: {  	s7 =	sadd.s32 s7, s8;
	s28 =	sadd.s32 $0xA00, s11;
	[dreg:$0x19] =	wrdreg s6  }
0xf: {  	s25 =	sshrl.u32 s23, $0x3;
	s31 =	smax.u32 s3, $0x1;
	[dreg:$0x1d] =	wrdreg s28  }
0x10: {  	s6 =	sshrl.u32 s6, $0x3;
	s5 =	sadd.s32 s13, s25;
	[smem:$0x7FD] =	sst s31  }
0x11: {  	s7 =	sshll.u32 s7, $0x5;
	[dreg:$0x1a] =	wrdreg s5;
	s26 =	sadd.s32 s12, s6  }
0x12: {  	s1 =	sadd.s32 s7, s1;
	s29 =	sadd.s32 s2, s7;
	[dreg:$0x1b] =	wrdreg s26  }
0x13: {  	[dreg:$0x1e] =	wrdreg s29;
	s30 =	sadd.s32 $0xC00, s1  }
0x14: {  	v0 =	vimm.f32 $0.0e+00;
	v1 =	vimm.f32 $1.000000000e+00;
	s1 =	simm.s32 $0x0;
	[dreg:$0x1f] =	wrdreg s30  }
.LBB2_1:
0x15: {  	[smem:$0x7FC] =	sst s1;
	s0 =	simm.s32 $0x40;
	s1 =	simm.s32 $0x0  }
.LBB2_2:
0x16: {  	p0 =	sne.s32 s0, $0xCFC0;
	[tilespmem:s1+$0x0] =	vst v0;
	s1 =	smov.u32 s0;
	s0 =	sadd.s32 $0x40, s0  }
.Ltmp0:
0x17: {  	(pc) =	sbr.rel @p0 .LBB2_2-.Ltmp0, $2  }
0x18: {  	_ =	sdelay $0x2  }
0x19: {  	s1 =	sshra.s32 s1, $0x2  }
0x1a: {  	s2 =	simm.s32 $0x0;
	s0 =	rddreg [dreg:$0x1a]  }
0x1b: {  	[tilespmem:s1+$0x0] =	vst v0;
	s28 =	simm.s32 $0x3400;
	s29 =	rddreg [dreg:$0x1b];
	s30 =	simm.s32 $0xC00  }
0x1c: {  	[tilespmem:s28], [sflag:$0x1] =	stream.linear.gather [hbm4b:s0+s2], $0xC00, $0x38;
	[tilespmem:$0x18600] =	vst v63  }
0x1d: {  	s31 =	simm.s32 $0x24000;
	s3 =	simm.s32 $0x4C00;
	s0 =	simm.s32 $0x0  }
0x1e: {  	[tilespmem:s3], [sflag:$0x1] =	stream.strided.gather [hbm4b:s29+s30], $0x9000, s31, s30, $0x38;
	[tilespmem:$0x18600] =	vst v63  }
.LBB2_4:
0x1f: {  	s2 =	simm.s32 $0x1  }
0x20: {  	s24 =	smul.u32 $0x1800, s0;
	_ =	swait.ge [sflag:s2], $0xC00  }
0x21: {  	[smem:$0x7FA] =	sst s0;
	[sflag:s2] =	ssyncset.done $0x0  }
0x22: {  	s25 =	simm.s32 $0x4000;
	[smem:$0x7FB] =	sst s24;
	[sflag:s2] =	ssyncadd.s32 $0xFFFFF400  }
0x23: {  	s3 =	simm.s32 $0x0;
	s29 =	simm.s32 $0xC00;
	_ =	swait.ge [sflag:s2], $0x9000  }
0x24: {  	s0 =	sadd.s32 $0xC00, s24;
	s1 =	rddreg [dreg:$0x18];
	[sflag:s2] =	ssyncset.done $0x0  }
0x25: {  	s26 =	rddreg [dreg:$0x19];
	s1 =	sadd.s32 s1, s0;
	[sflag:s2] =	ssyncadd.s32 $0xFFFF7000  }
0x26: {  	s0 =	sadd.s32 s26, s0;
	s1 =	sshrl.u32 s1, $0x3;
	s2 =	rddreg [dreg:$0x1]  }
0x27: {  	s0 =	sshrl.u32 s0, $0x3;
	s28 =	rddreg [dreg:$0x0];
	s1 =	sadd.s32 s2, s1  }
0x28: {  	[tilespmem:s25], [sflag:$0x2] =	stream.linear.gather [hbm4b:s1+s3], $0xC00, $0x38;
	[tilespmem:$0x18600] =	vst v63  }
0x29: {  	s30 =	simm.s32 $0x24000;
	s31 =	simm.s32 $0xDC00;
	s0 =	sadd.s32 s28, s0  }
0x2a: {  	[tilespmem:s31], [sflag:$0x2] =	stream.strided.gather [hbm4b:s0+s29], $0x9000, s30, s29, $0x38;
	[tilespmem:$0x18600] =	vst v63  }
0x2b: {  	s0 =	simm.s32 $0x0  }
.LBB2_5:
0x2c: {  	[smem:$0x7F9] =	sst s0;
	s0 =	sshll.u32 s0, $0x7  }
0x2d: {  	v2 =	vld [tilespmem:s0+$0x3400]  }
0x2e: {  	v8 =	vld [tilespmem:s0+$0x4C00]  }
0x2f: {  	v9 =	vld [tilespmem:s0+$0x5800]  }
0x30: {  	v7 =	vld [tilespmem:s0+$0x6400]  }
0x31: {  	v5 =	vld [tilespmem:s0+$0x7000]  }
0x32: {  	v3 =	vld [tilespmem:s0+$0x7C00]  }
0x33: {  	v4 =	vld [tilespmem:s0+$0x8800]  }
0x34: {  	v6 =	vld [tilespmem:s0+$0x9400]  }
0x35: {  	s1 =	simm.s32 $0x80;
	v10 =	vld [tilespmem:s0+$0xA000]  }
0x36: {  	s3 =	simm.s32 $0x10;
	s5 =	simm.s32 $0x20;
	s12 =	sand.u32 $0xC00, s1;
	v16 =	vld [tilespmem:s0+$0xAC00]  }
0x37: {  	s19 =	simm.s32 $0x100;
	s13 =	sand.u32 $0x70, s3;
	v18 =	vld [tilespmem:s0+$0xB800];
	s1 =	sor.u32 s0, s12  }
0x38: {  	s2 =	sadd.s32 $0x7C00, s0;
	s8 =	sadd.s32 $0xAC00, s0;
	v19 =	vld [tilespmem:s0+$0xC400];
	s3 =	sor.u32 s13, s1  }
0x39: {  	s14 =	sadd.s32 $0xD000, s0;
	s15 =	sand.u32 $0x70, s5;
	s6 =	sadd.s32 s12, s8;
	v29 =	vld [tilespmem:s3+$0x4C00]  }
0x3a: {  	s7 =	sadd.s32 s12, s14;
	s6 =	sadd.s32 s13, s6;
	s1 =	sand.u32 $0x1C00, s19;
	v11 =	vld [tilespmem:s3+$0x3400]  }
0x3b: {  	s20 =	sadd.s32 s13, s7;
	v30 =	vld [tilespmem:s6+$0x0];
	s21 =	sadd.s32 s1, s2;
	[dreg:$0xa] =	wrdreg s8  }
0x3c: {  	s7 =	sadd.s32 $0x6400, s0;
	s22 =	sadd.s32 s1, s8;
	v12 =	vld [tilespmem:s20+$0x0];
	s23 =	sadd.s32 s15, s21  }
0x3d: {  	s24 =	sadd.s32 $0x5800, s0;
	s25 =	sadd.s32 s1, s7;
	s6 =	sadd.s32 s15, s22;
	v14 =	vld [tilespmem:s23+$0x0]  }
0x3e: {  	s11 =	sadd.s32 $0x7000, s0;
	s26 =	sadd.s32 s1, s24;
	s5 =	sadd.s32 s15, s25;
	v13 =	vld [tilespmem:s6+$0x0]  }
0x3f: {  	s16 =	sadd.s32 $0x8800, s0;
	s28 =	sadd.s32 s1, s11;
	s3 =	sadd.s32 s15, s26;
	v25 =	vld [tilespmem:s5+$0x0]  }
0x40: {  	s29 =	sadd.s32 s12, s16;
	s6 =	sadd.s32 s15, s28;
	v28 =	vld [tilespmem:s3+$0x0];
	[dreg:$0x8] =	wrdreg s2  }
0x41: {  	s9 =	sadd.s32 $0x9400, s0;
	s31 =	sadd.s32 s12, s2;
	s30 =	sadd.s32 s13, s29;
	v21 =	vld [tilespmem:s6+$0x0]  }
0x42: {  	s17 =	sadd.s32 $0xA000, s0;
	s18 =	sadd.s32 s12, s9;
	s5 =	sadd.s32 s13, s31;
	v32 =	vld [tilespmem:s30+$0x0]  }
0x43: {  	s10 =	sadd.s32 $0xB800, s0;
	s2 =	sadd.s32 s12, s17;
	s3 =	sadd.s32 s13, s18;
	v33 =	vld [tilespmem:s5+$0x0]  }
0x44: {  	s20 =	sadd.s32 s12, s10;
	s19 =	sadd.s32 s13, s2;
	v35 =	vld [tilespmem:s3+$0x0]  }
0x45: {  	s21 =	sadd.s32 s1, s16;
	s5 =	sadd.s32 s13, s20;
	v34 =	vld [tilespmem:s19+$0x0];
	[dreg:$0x14] =	wrdreg s16  }
0x46: {  	s22 =	sadd.s32 s12, s24;
	s3 =	sadd.s32 s15, s21;
	v36 =	vld [tilespmem:s5+$0x0];
	[dreg:$0x10] =	wrdreg s24  }
0x47: {  	s25 =	sadd.s32 s12, s11;
	s23 =	sadd.s32 s1, s9;
	s5 =	sadd.s32 s13, s22;
	v23 =	vld [tilespmem:s3+$0x0]  }
0x48: {  	s24 =	sadd.s32 s1, s17;
	v37 =	vld [tilespmem:s5+$0x0];
	[dreg:$0x16] =	wrdreg s17;
	s3 =	sadd.s32 s15, s23  }
0x49: {  	s5 =	sadd.s32 s15, s24;
	v26 =	vld [tilespmem:s3+$0x0];
	[dreg:$0x12] =	wrdreg s11;
	s11 =	sadd.s32 $0xC400, s0  }
0x4a: {  	s3 =	sadd.s32 s13, s25;
	v22 =	vld [tilespmem:s5+$0x0];
	s26 =	sadd.s32 s12, s11  }
0x4b: {  	s28 =	sadd.s32 s1, s14;
	v38 =	vld [tilespmem:s3+$0x0];
	s3 =	sadd.s32 s13, s26  }
0x4c: {  	s29 =	sadd.s32 s1, s10;
	v39 =	vld [tilespmem:s3+$0x0];
	[dreg:$0xc] =	wrdreg s14;
	s3 =	sadd.s32 s15, s28  }
0x4d: {  	v31 =	vadd.s32 $0x3000, v2;
	v17 =	vld [tilespmem:s3+$0x0];
	s3 =	sadd.s32 s15, s29  }
0x4e: {  	s30 =	sor.u32 s0, s15;
	v24 =	vld [tilespmem:s3+$0x0];
	[dreg:$0x6] =	wrdreg s0  }
0x4f: {  	v20 =	vld [tilespmem:s0+$0xD000];
	s31 =	sadd.s32 s12, s7;
	s3 =	sor.u32 s1, s30;
	[dreg:$0xe] =	wrdreg s7  }
0x50: {  	v40 =	vadd.s32 $0x3000, v11;
	s5 =	sadd.s32 s13, s31;
	v15 =	vld [tilespmem:s3+$0x3400]  }
0x51: {  	v41 =	vld [tilespmem:s5+$0x0]  }
0x52: {  	v42 =	vadd.s32 $0x400, v11;
	s1 =	sadd.s32 s1, s11;
	[tilespmem:v31+s4+$0x0] =	vst.idx.add.f32.msk $0xffff, v1  }
0x53: {  	v43 =	vadd.s32 $0x800, v11;
	s1 =	sadd.s32 s15, s1;
	v31 =	vld [tilespmem:s3+$0x4C00]  }
0x54: {  	v44 =	vadd.s32 $0xC00, v11;
	v27 =	vld [tilespmem:s1+$0x0]  }
0x55: {  	v45 =	vadd.s32 $0x1000, v11;
	[tilespmem:v40+s4+$0x0] =	vst.idx.add.f32.msk $0xffff, v1  }
0x56: {  	v59 =	vadd.s32 $0x1400, v11;
	[tilespmem:v11+s4+$0x0] =	vst.idx.add.f32.msk $0xffff, v29  }
0x57: {  	v29 =	vadd.s32 $0x1800, v11;
	[tilespmem:v42+s4+$0x0] =	vst.idx.add.f32.msk $0xffff, v37  }
0x58: {  	v60 =	vadd.s32 $0x1C00, v11;
	[tilespmem:v43+s4+$0x0] =	vst.idx.add.f32.msk $0xffff, v41  }
0x59: {  	v61 =	vadd.s32 $0x2000, v11;
	[tilespmem:v44+s4+$0x0] =	vst.idx.add.f32.msk $0xffff, v38  }
0x5a: {  	v62 =	vadd.s32 $0x2400, v11;
	[tilespmem:v45+s4+$0x0] =	vst.idx.add.f32.msk $0xffff, v33  }
0x5b: {  	v63 =	vadd.s32 $0x2800, v11;
	[tilespmem:v59+s4+$0x0] =	vst.idx.add.f32.msk $0xffff, v32  }
0x5c: {  	[tilespmem:v29+s4+$0x0] =	vst.idx.add.f32.msk $0xffff, v35  }
0x5d: {  	[tilespmem:v60+s4+$0x0] =	vst.idx.add.f32.msk $0xffff, v34  }
0x5e: {  	[tilespmem:v61+s4+$0x0] =	vst.idx.add.f32.msk $0xffff, v30  }
0x5f: {  	[tilespmem:v62+s4+$0x0] =	vst.idx.add.f32.msk $0xffff, v36  }
0x60: {  	s23 =	simm.s32 $0x40;
	s12 =	simm.s32 $0x1;
	s13 =	simm.s32 $0x180;
	v32 =	vadd.s32 $0x400, v2;
	v30 =	vadd.s32 $0x800, v2;
	[tilespmem:v63+s4+$0x0] =	vst.idx.add.f32.msk $0xffff, v39  }
.LBB2_6:
0x61: {  	_ =	sdelay $0x2  }
0x62: {  	s1 =	sadd.s32 $0xFFFFFFF0, s23;
	s19 =	sand.u32 $0xC00, s13;
	[tilespmem:v2+s4+$0x0] =	vst.idx.add.f32.msk $0xffff, v8;
	s7 =	rddreg [dreg:$0x6]  }
0x63: {  	v8 =	vmov v31;
	v31 =	vadd.s32 $0xC00, v2;
	s28 =	sand.u32 $0x70, s1;
	s21 =	sor.u32 s7, s19;
	[tilespmem:v32+s4+$0x0] =	vst.idx.add.f32.msk $0xffff, v9  }
0x64: {  	s0 =	rddreg [dreg:$0xa];
	v9 =	vmov v28;
	v28 =	vadd.s32 $0x1000, v2;
	s1 =	sor.u32 s28, s21;
	[tilespmem:v30+s4+$0x0] =	vst.idx.add.f32.msk $0xffff, v7  }
0x65: {  	s5 =	sadd.s32 s19, s0;
	v7 =	vmov v25;
	v25 =	vadd.s32 $0x1400, v2;
	v30 =	vld [tilespmem:s1+$0x4C00]  }
0x66: {  	v33 =	vadd.s32 $0x1800, v2;
	s5 =	sadd.s32 s28, s5;
	v32 =	vld [tilespmem:s1+$0x3400]  }
0x67: {  	v34 =	vadd.s32 $0x1C00, v2;
	v29 =	vld [tilespmem:s5+$0x0]  }
0x68: {  	[tilespmem:v31+s4+$0x0] =	vst.idx.add.f32.msk $0xffff, v5;
	v31 =	vadd.s32 $0x2000, v2  }
0x69: {  	[tilespmem:v28+s4+$0x0] =	vst.idx.add.f32.msk $0xffff, v3  }
0x6a: {  	s3 =	sadd.s32 $0x80, s13;
	s26 =	rddreg [dreg:$0xc];
	[tilespmem:v25+s4+$0x0] =	vst.idx.add.f32.msk $0xffff, v4  }
0x6b: {  	s20 =	sand.u32 $0x70, s23;
	s8 =	rddreg [dreg:$0x12];
	s18 =	sand.u32 $0x1C00, s3;
	v3 =	vmov v14;
	v14 =	vadd.s32 $0x2400, v2;
	[tilespmem:v33+s4+$0x0] =	vst.idx.add.f32.msk $0xffff, v6  }
0x6c: {  	s6 =	sadd.s32 s19, s26;
	s31 =	sadd.s32 s19, s8;
	s0 =	sadd.s32 s18, s0;
	v5 =	vmov v21;
	v21 =	vadd.s32 $0x2800, v2;
	[tilespmem:v34+s4+$0x0] =	vst.idx.add.f32.msk $0xffff, v10  }
0x6d: {  	s17 =	sadd.s32 s19, s11;
	s7 =	sor.u32 s7, s20;
	s0 =	sadd.s32 s20, s0;
	[tilespmem:v31+s4+$0x0] =	vst.idx.add.f32.msk $0xffff, v16  }
0x6e: {  	s29 =	sadd.s32 s28, s6;
	s24 =	sadd.s32 s18, s8;
	s8 =	rddreg [dreg:$0xe];
	v10 =	vmov v22;
	v22 =	vadd.s32 $0x2C00, v2;
	v16 =	vmov v13;
	v13 =	vld [tilespmem:s0+$0x0]  }
0x6f: {  	s15 =	sadd.s32 s18, s8;
	v4 =	vmov v23;
	v25 =	vadd.s32 $0x2C00, v11;
	v23 =	vld [tilespmem:s29+$0x0];
	s29 =	sor.u32 s18, s7;
	s7 =	rddreg [dreg:$0x8]  }
0x70: {  	s21 =	sadd.s32 s20, s15;
	s15 =	sadd.s32 s28, s17;
	[tilespmem:v14+s4+$0x0] =	vst.idx.add.f32.msk $0xffff, v18;
	s17 =	sadd.s32 s18, s7  }
0x71: {  	[tilespmem:v21+s4+$0x0] =	vst.idx.add.f32.msk $0xffff, v19;
	s17 =	sadd.s32 s20, s17  }
0x72: {  	s2 =	rddreg [dreg:$0x14];
	v14 =	vld [tilespmem:s17+$0x0]  }
0x73: {  	s22 =	rddreg [dreg:$0x10];
	[tilespmem:v22+s4+$0x0] =	vst.idx.add.f32.msk $0xffff, v20  }
0x74: {  	s14 =	rddreg [dreg:$0x16];
	s25 =	sadd.s32 s18, s22;
	[tilespmem:v25+s4+$0x0] =	vst.idx.add.f32.msk $0xffff, v12  }
0x75: {  	s16 =	sadd.s32 s18, s2;
	s1 =	sadd.s32 s19, s2;
	s6 =	sadd.s32 s20, s25;
	v25 =	vld [tilespmem:s21+$0x0]  }
0x76: {  	s2 =	sadd.s32 s19, s14;
	s14 =	sadd.s32 s18, s14;
	s24 =	sadd.s32 s20, s24;
	v28 =	vld [tilespmem:s6+$0x0]  }
0x77: {  	s5 =	sadd.s32 s20, s14;
	s14 =	sadd.s32 s28, s1;
	s7 =	sadd.s32 s19, s7;
	v21 =	vld [tilespmem:s24+$0x0]  }
0x78: {  	s7 =	sadd.s32 s28, s7;
	v61 =	vld [tilespmem:s14+$0x0]  }
0x79: {  	s3 =	sadd.s32 s19, s22;
	s22 =	sadd.s32 s19, s9;
	s2 =	sadd.s32 s28, s2;
	v33 =	vld [tilespmem:s7+$0x0]  }
0x7a: {  	s30 =	sadd.s32 s19, s10;
	s22 =	sadd.s32 s28, s22;
	v34 =	vld [tilespmem:s2+$0x0]  }
0x7b: {  	s30 =	sadd.s32 s28, s30;
	v35 =	vld [tilespmem:s22+$0x0]  }
0x7c: {  	s3 =	sadd.s32 s28, s3;
	s25 =	sadd.s32 s18, s9;
	v36 =	vld [tilespmem:s30+$0x0]  }
0x7d: {  	s25 =	sadd.s32 s20, s25;
	v37 =	vld [tilespmem:s3+$0x0]  }
0x7e: {  	v6 =	vmov v26;
	v26 =	vld [tilespmem:s25+$0x0]  }
0x7f: {  	s31 =	sadd.s32 s28, s31;
	v22 =	vld [tilespmem:s5+$0x0]  }
0x80: {  	s26 =	sadd.s32 s18, s26;
	v40 =	vld [tilespmem:s31+$0x0]  }
0x81: {  	s26 =	sadd.s32 s20, s26;
	s1 =	sadd.s32 s18, s11;
	s18 =	sadd.s32 s18, s10;
	v41 =	vld [tilespmem:s15+$0x0]  }
0x82: {  	v31 =	vadd.s32 $0x3000, v15;
	s17 =	sadd.s32 s20, s18;
	v20 =	vmov v17;
	v17 =	vld [tilespmem:s26+$0x0]  }
0x83: {  	v18 =	vmov v24;
	s19 =	sadd.s32 s19, s8;
	v24 =	vld [tilespmem:s17+$0x0]  }
0x84: {  	v11 =	vmov v32;
	v2 =	vmov v15;
	s19 =	sadd.s32 s28, s19;
	v15 =	vld [tilespmem:s29+$0x3400]  }
0x85: {  	s1 =	sadd.s32 s20, s1;
	v38 =	vadd.s32 $0x3000, v11;
	v44 =	vld [tilespmem:s19+$0x0]  }
0x86: {  	v19 =	vmov v27;
	v27 =	vld [tilespmem:s1+$0x0]  }
0x87: {  	v39 =	vadd.s32 $0x400, v11;
	[tilespmem:v31+s4+$0x0] =	vst.idx.add.f32.msk $0xffff, v1  }
0x88: {  	s16 =	sadd.s32 s20, s16;
	v42 =	vadd.s32 $0x800, v11;
	v31 =	vld [tilespmem:s29+$0x4C00]  }
0x89: {  	v43 =	vadd.s32 $0xC00, v11;
	v12 =	vmov v23;
	v23 =	vld [tilespmem:s16+$0x0]  }
0x8a: {  	v45 =	vadd.s32 $0x1000, v11;
	[tilespmem:v38+s4+$0x0] =	vst.idx.add.f32.msk $0xffff, v1  }
0x8b: {  	v46 =	vadd.s32 $0x1400, v11;
	[tilespmem:v11+s4+$0x0] =	vst.idx.add.f32.msk $0xffff, v30  }
0x8c: {  	v47 =	vadd.s32 $0x1800, v11;
	[tilespmem:v39+s4+$0x0] =	vst.idx.add.f32.msk $0xffff, v37  }
0x8d: {  	v48 =	vadd.s32 $0x1C00, v11;
	[tilespmem:v42+s4+$0x0] =	vst.idx.add.f32.msk $0xffff, v44  }
0x8e: {  	v62 =	vadd.s32 $0x2000, v11;
	[tilespmem:v43+s4+$0x0] =	vst.idx.add.f32.msk $0xffff, v40  }
0x8f: {  	s12 =	sadd.s32 $0x2, s12;
	v49 =	vadd.s32 $0x2400, v11;
	[tilespmem:v45+s4+$0x0] =	vst.idx.add.f32.msk $0xffff, v33  }
0x90: {  	p0 =	slt.u32 s12, $0x15;
	v63 =	vadd.s32 $0x2800, v11;
	[tilespmem:v46+s4+$0x0] =	vst.idx.add.f32.msk $0xffff, v61  }
.Ltmp1:
0x91: {  	[tilespmem:v47+s4+$0x0] =	vst.idx.add.f32.msk $0xffff, v35;
	(pc) =	sbr.rel @p0 .LBB2_6-.Ltmp1, $4  }
0x92: {  	[tilespmem:v48+s4+$0x0] =	vst.idx.add.f32.msk $0xffff, v34  }
0x93: {  	[tilespmem:v62+s4+$0x0] =	vst.idx.add.f32.msk $0xffff, v29  }
0x94: {  	[tilespmem:v49+s4+$0x0] =	vst.idx.add.f32.msk $0xffff, v36  }
0x95: {  	s13 =	sadd.s32 $0x100, s13;
	s23 =	sadd.s32 $0x20, s23;
	v32 =	vadd.s32 $0x400, v2;
	v30 =	vadd.s32 $0x800, v2;
	[tilespmem:v63+s4+$0x0] =	vst.idx.add.f32.msk $0xffff, v41  }
0x96: {  	_ =	sdelay $0x1  }
0x97: {  	v29 =	vadd.s32 $0xC00, v2  }
0x98: {  	v42 =	vadd.s32 $0x2C00, v11  }
0x99: {  	v33 =	vadd.s32 $0x1000, v2;
	[tilespmem:v2+s4+$0x0] =	vst.idx.add.f32.msk $0xffff, v8  }
0x9a: {  	v37 =	vadd.s32 $0x1400, v2;
	[tilespmem:v32+s4+$0x0] =	vst.idx.add.f32.msk $0xffff, v9  }
0x9b: {  	v38 =	vadd.s32 $0x1800, v2;
	[tilespmem:v30+s4+$0x0] =	vst.idx.add.f32.msk $0xffff, v7  }
0x9c: {  	v39 =	vadd.s32 $0x1C00, v2;
	[tilespmem:v29+s4+$0x0] =	vst.idx.add.f32.msk $0xffff, v5  }
0x9d: {  	v40 =	vadd.s32 $0x2000, v2;
	[tilespmem:v42+s4+$0x0] =	vst.idx.add.f32.msk $0xffff, v12  }
0x9e: {  	[tilespmem:v33+s4+$0x0] =	vst.idx.add.f32.msk $0xffff, v3;
	v3 =	vadd.s32 $0x2400, v2  }
0x9f: {  	v41 =	vadd.s32 $0x2800, v2;
	[tilespmem:v37+s4+$0x0] =	vst.idx.add.f32.msk $0xffff, v4  }
0xa0: {  	v2 =	vadd.s32 $0x2C00, v2;
	[tilespmem:v38+s4+$0x0] =	vst.idx.add.f32.msk $0xffff, v6  }
0xa1: {  	[tilespmem:v39+s4+$0x0] =	vst.idx.add.f32.msk $0xffff, v10  }
0xa2: {  	[tilespmem:v40+s4+$0x0] =	vst.idx.add.f32.msk $0xffff, v16  }
0xa3: {  	[tilespmem:v3+s4+$0x0] =	vst.idx.add.f32.msk $0xffff, v18  }
0xa4: {  	[tilespmem:v41+s4+$0x0] =	vst.idx.add.f32.msk $0xffff, v19  }
0xa5: {  	[tilespmem:v2+s4+$0x0] =	vst.idx.add.f32.msk $0xffff, v20  }
0xa6: {  	s0 =	rddreg [dreg:$0x6]  }
0xa7: {  	v2 =	vld [tilespmem:s0+$0x3C70]  }
0xa8: {  	v3 =	vld [tilespmem:s0+$0x5470]  }
0xa9: {  	v4 =	vld [tilespmem:s0+$0x6070]  }
0xaa: {  	v5 =	vld [tilespmem:s0+$0x6C70]  }
0xab: {  	v6 =	vld [tilespmem:s0+$0x7870]  }
0xac: {  	v7 =	vld [tilespmem:s0+$0x8470]  }
0xad: {  	v8 =	vld [tilespmem:s0+$0x9070]  }
0xae: {  	v9 =	vld [tilespmem:s0+$0x9C70]  }
0xaf: {  	v43 =	vadd.s32 $0x3000, v15;
	v10 =	vld [tilespmem:s0+$0xA870]  }
0xb0: {  	v12 =	vld [tilespmem:s0+$0xB470]  }
0xb1: {  	v44 =	vadd.s32 $0x400, v15;
	v16 =	vld [tilespmem:s0+$0xC070]  }
0xb2: {  	v45 =	vadd.s32 $0x800, v15;
	v19 =	vld [tilespmem:s0+$0xCC70]  }
0xb3: {  	v46 =	vadd.s32 $0xC00, v15;
	v29 =	vld [tilespmem:s0+$0xD870]  }
0xb4: {  	v47 =	vadd.s32 $0x1000, v15;
	[tilespmem:v43+s4+$0x0] =	vst.idx.add.f32.msk $0xffff, v1  }
0xb5: {  	v48 =	vadd.s32 $0x1400, v15;
	[tilespmem:v15+s4+$0x0] =	vst.idx.add.f32.msk $0xffff, v31  }
0xb6: {  	v49 =	vadd.s32 $0x1800, v15;
	[tilespmem:v44+s4+$0x0] =	vst.idx.add.f32.msk $0xffff, v28  }
0xb7: {  	v50 =	vadd.s32 $0x1C00, v15;
	[tilespmem:v45+s4+$0x0] =	vst.idx.add.f32.msk $0xffff, v25  }
0xb8: {  	v51 =	vadd.s32 $0x2000, v15;
	[tilespmem:v46+s4+$0x0] =	vst.idx.add.f32.msk $0xffff, v21  }
0xb9: {  	v52 =	vadd.s32 $0x2400, v15;
	[tilespmem:v47+s4+$0x0] =	vst.idx.add.f32.msk $0xffff, v14  }
0xba: {  	v53 =	vadd.s32 $0x2800, v15;
	[tilespmem:v48+s4+$0x0] =	vst.idx.add.f32.msk $0xffff, v23  }
0xbb: {  	v54 =	vadd.s32 $0x2C00, v15;
	[tilespmem:v49+s4+$0x0] =	vst.idx.add.f32.msk $0xffff, v26  }
0xbc: {  	v55 =	vadd.s32 $0x3000, v2;
	[tilespmem:v50+s4+$0x0] =	vst.idx.add.f32.msk $0xffff, v22  }
0xbd: {  	[tilespmem:v51+s4+$0x0] =	vst.idx.add.f32.msk $0xffff, v13  }
0xbe: {  	v56 =	vadd.s32 $0x400, v2;
	[tilespmem:v52+s4+$0x0] =	vst.idx.add.f32.msk $0xffff, v24  }
0xbf: {  	v57 =	vadd.s32 $0x800, v2;
	[tilespmem:v53+s4+$0x0] =	vst.idx.add.f32.msk $0xffff, v27  }
0xc0: {  	v58 =	vadd.s32 $0xC00, v2;
	[tilespmem:v54+s4+$0x0] =	vst.idx.add.f32.msk $0xffff, v17  }
0xc1: {  	v59 =	vadd.s32 $0x1000, v2;
	[tilespmem:v55+s4+$0x0] =	vst.idx.add.f32.msk $0xffff, v1  }
0xc2: {  	[tilespmem:v2+s4+$0x0] =	vst.idx.add.f32.msk $0xffff, v3;
	v3 =	vadd.s32 $0x1400, v2  }
0xc3: {  	v60 =	vadd.s32 $0x1800, v2;
	[tilespmem:v56+s4+$0x0] =	vst.idx.add.f32.msk $0xffff, v4  }
0xc4: {  	s31 =	sld [smem:$0x7F9];
	v61 =	vadd.s32 $0x1C00, v2;
	[tilespmem:v57+s4+$0x0] =	vst.idx.add.f32.msk $0xffff, v5  }
0xc5: {  	v62 =	vadd.s32 $0x2000, v2;
	[tilespmem:v58+s4+$0x0] =	vst.idx.add.f32.msk $0xffff, v6  }
0xc6: {  	v63 =	vadd.s32 $0x2400, v2;
	[tilespmem:v59+s4+$0x0] =	vst.idx.add.f32.msk $0xffff, v7  }
0xc7: {  	s0 =	sadd.s32 $0x1, s31;
	[tilespmem:v3+s4+$0x0] =	vst.idx.add.f32.msk $0xffff, v8;
	v3 =	vadd.s32 $0x2800, v2  }
0xc8: {  	p0 =	sne.s32 s0, $0x8;
	v2 =	vadd.s32 $0x2C00, v2;
	[tilespmem:v60+s4+$0x0] =	vst.idx.add.f32.msk $0xffff, v9  }
.Ltmp2:
0xc9: {  	[tilespmem:v61+s4+$0x0] =	vst.idx.add.f32.msk $0xffff, v10;
	(pc) =	sbr.rel @p0 .LBB2_5-.Ltmp2, $4  }
0xca: {  	[tilespmem:v62+s4+$0x0] =	vst.idx.add.f32.msk $0xffff, v12  }
0xcb: {  	[tilespmem:v63+s4+$0x0] =	vst.idx.add.f32.msk $0xffff, v16  }
0xcc: {  	[tilespmem:v3+s4+$0x0] =	vst.idx.add.f32.msk $0xffff, v19  }
0xcd: {  	[tilespmem:v2+s4+$0x0] =	vst.idx.add.f32.msk $0xffff, v29  }
0xce: {  	s2 =	simm.s32 $0x2  }
0xcf: {  	_ =	swait.ge [sflag:s2], $0xC00  }
0xd0: {  	[sflag:s2] =	ssyncset.done $0x0;
	s0 =	sld [smem:$0x7FA]  }
0xd1: {  	[sflag:s2] =	ssyncadd.s32 $0xFFFFF400  }
0xd2: {  	_ =	swait.ge [sflag:s2], $0x9000  }
0xd3: {  	p0 =	seq.s32 s0, $0x17;
	s0 =	sld [smem:$0x7FB];
	_ =	sdelay $0x2  }
0xd4: {  	[sflag:s2] =	ssyncset.done $0x0;
	s1 =	rddreg [dreg:$0x18];
	s0 =	sadd.s32 @!p0 $0x1800, s0  }
0xd5: {  	[sflag:s2] =	ssyncadd.s32 $0xFFFF7000;
	s1 =	sadd.s32 @!p0 s1, s0  }
0xd6: {  	s2 =	rddreg [dreg:$0x1];
	s1 =	sshrl.u32 @!p0 s1, $0x3  }
0xd7: {  	s3 =	simm.s32 @!p0 $0x3400;
	s1 =	sadd.s32 @!p0 s2, s1;
	s2 =	simm.s32 @!p0 $0x0  }
0xd8: {  	[tilespmem:s3], [sflag:$0x1] =	stream.linear.gather @!p0 [hbm4b:s1+s2], $0xC00, $0x38;
	[tilespmem:$0x18600] =	vst v63  }
0xd9: {  	s1 =	rddreg [dreg:$0x19]  }
0xda: {  	s0 =	sadd.s32 @!p0 s1, s0  }
0xdb: {  	s2 =	simm.s32 @!p0 $0x24000;
	s1 =	rddreg [dreg:$0x0];
	s0 =	sshrl.u32 @!p0 s0, $0x3  }
0xdc: {  	s3 =	simm.s32 @!p0 $0x4C00;
	s0 =	sadd.s32 @!p0 s1, s0;
	s1 =	simm.s32 @!p0 $0xC00  }
0xdd: {  	[tilespmem:s3], [sflag:$0x1] =	stream.strided.gather @!p0 [hbm4b:s0+s1], $0x9000, s2, s1, $0x38;
	[tilespmem:$0x18600] =	vst v63  }
0xde: {  	s0 =	simm.s32 $0x0  }
.LBB2_9:
0xdf: {  	[smem:$0x7F8] =	sst s0;
	s0 =	sshll.u32 s0, $0x7  }
0xe0: {  	v2 =	vld [tilespmem:s0+$0x4000]  }
0xe1: {  	v8 =	vld [tilespmem:s0+$0xDC00]  }
0xe2: {  	v9 =	vld [tilespmem:s0+$0xE800]  }
0xe3: {  	v7 =	vld [tilespmem:s0+$0xF400]  }
0xe4: {  	v5 =	vld [tilespmem:s0+$0x10000]  }
0xe5: {  	v3 =	vld [tilespmem:s0+$0x10C00]  }
0xe6: {  	v4 =	vld [tilespmem:s0+$0x11800]  }
0xe7: {  	v6 =	vld [tilespmem:s0+$0x12400]  }
0xe8: {  	s1 =	simm.s32 $0x80;
	v10 =	vld [tilespmem:s0+$0x13000]  }
0xe9: {  	s3 =	simm.s32 $0x10;
	s5 =	simm.s32 $0x20;
	s12 =	sand.u32 $0xC00, s1;
	v16 =	vld [tilespmem:s0+$0x13C00]  }
0xea: {  	s19 =	simm.s32 $0x100;
	s13 =	sand.u32 $0x70, s3;
	v18 =	vld [tilespmem:s0+$0x14800];
	s1 =	sor.u32 s0, s12  }
0xeb: {  	s2 =	sadd.s32 $0x10C00, s0;
	s8 =	sadd.s32 $0x13C00, s0;
	v19 =	vld [tilespmem:s0+$0x15400];
	s3 =	sor.u32 s13, s1  }
0xec: {  	s14 =	sadd.s32 $0x16000, s0;
	s15 =	sand.u32 $0x70, s5;
	s6 =	sadd.s32 s12, s8;
	v29 =	vld [tilespmem:s3+$0xDC00]  }
0xed: {  	s7 =	sadd.s32 s12, s14;
	s6 =	sadd.s32 s13, s6;
	s1 =	sand.u32 $0x1C00, s19;
	v11 =	vld [tilespmem:s3+$0x4000]  }
0xee: {  	s20 =	sadd.s32 s13, s7;
	v30 =	vld [tilespmem:s6+$0x0];
	s21 =	sadd.s32 s1, s2;
	[dreg:$0xb] =	wrdreg s8  }
0xef: {  	s7 =	sadd.s32 $0xF400, s0;
	s22 =	sadd.s32 s1, s8;
	v12 =	vld [tilespmem:s20+$0x0];
	s23 =	sadd.s32 s15, s21  }
0xf0: {  	s24 =	sadd.s32 $0xE800, s0;
	s25 =	sadd.s32 s1, s7;
	s6 =	sadd.s32 s15, s22;
	v14 =	vld [tilespmem:s23+$0x0]  }
0xf1: {  	s11 =	sadd.s32 $0x10000, s0;
	s26 =	sadd.s32 s1, s24;
	s5 =	sadd.s32 s15, s25;
	v13 =	vld [tilespmem:s6+$0x0]  }
0xf2: {  	s16 =	sadd.s32 $0x11800, s0;
	s28 =	sadd.s32 s1, s11;
	s3 =	sadd.s32 s15, s26;
	v25 =	vld [tilespmem:s5+$0x0]  }
0xf3: {  	s29 =	sadd.s32 s12, s16;
	s6 =	sadd.s32 s15, s28;
	v28 =	vld [tilespmem:s3+$0x0];
	[dreg:$0x9] =	wrdreg s2  }
0xf4: {  	s9 =	sadd.s32 $0x12400, s0;
	s31 =	sadd.s32 s12, s2;
	s30 =	sadd.s32 s13, s29;
	v21 =	vld [tilespmem:s6+$0x0]  }
0xf5: {  	s17 =	sadd.s32 $0x13000, s0;
	s18 =	sadd.s32 s12, s9;
	s5 =	sadd.s32 s13, s31;
	v32 =	vld [tilespmem:s30+$0x0]  }
0xf6: {  	s10 =	sadd.s32 $0x14800, s0;
	s2 =	sadd.s32 s12, s17;
	s3 =	sadd.s32 s13, s18;
	v33 =	vld [tilespmem:s5+$0x0]  }
0xf7: {  	s20 =	sadd.s32 s12, s10;
	s19 =	sadd.s32 s13, s2;
	v35 =	vld [tilespmem:s3+$0x0]  }
0xf8: {  	s21 =	sadd.s32 s1, s16;
	s5 =	sadd.s32 s13, s20;
	v34 =	vld [tilespmem:s19+$0x0];
	[dreg:$0x15] =	wrdreg s16  }
0xf9: {  	s22 =	sadd.s32 s12, s24;
	s3 =	sadd.s32 s15, s21;
	v36 =	vld [tilespmem:s5+$0x0];
	[dreg:$0x11] =	wrdreg s24  }
0xfa: {  	s25 =	sadd.s32 s12, s11;
	s23 =	sadd.s32 s1, s9;
	s5 =	sadd.s32 s13, s22;
	v23 =	vld [tilespmem:s3+$0x0]  }
0xfb: {  	s24 =	sadd.s32 s1, s17;
	v37 =	vld [tilespmem:s5+$0x0];
	[dreg:$0x17] =	wrdreg s17;
	s3 =	sadd.s32 s15, s23  }
0xfc: {  	s5 =	sadd.s32 s15, s24;
	v26 =	vld [tilespmem:s3+$0x0];
	[dreg:$0x13] =	wrdreg s11;
	s11 =	sadd.s32 $0x15400, s0  }
0xfd: {  	s3 =	sadd.s32 s13, s25;
	v22 =	vld [tilespmem:s5+$0x0];
	s26 =	sadd.s32 s12, s11  }
0xfe: {  	s28 =	sadd.s32 s1, s14;
	v38 =	vld [tilespmem:s3+$0x0];
	s3 =	sadd.s32 s13, s26  }
0xff: {  	s29 =	sadd.s32 s1, s10;
	v39 =	vld [tilespmem:s3+$0x0];
	[dreg:$0xd] =	wrdreg s14;
	s3 =	sadd.s32 s15, s28  }
0x100: {  	v31 =	vadd.s32 $0x3000, v2;
	v17 =	vld [tilespmem:s3+$0x0];
	s3 =	sadd.s32 s15, s29  }
0x101: {  	s30 =	sor.u32 s0, s15;
	v24 =	vld [tilespmem:s3+$0x0];
	[dreg:$0x7] =	wrdreg s0  }
0x102: {  	v20 =	vld [tilespmem:s0+$0x16000];
	s31 =	sadd.s32 s12, s7;
	s3 =	sor.u32 s1, s30;
	[dreg:$0xf] =	wrdreg s7  }
0x103: {  	v40 =	vadd.s32 $0x3000, v11;
	s5 =	sadd.s32 s13, s31;
	v15 =	vld [tilespmem:s3+$0x4000]  }
0x104: {  	v41 =	vld [tilespmem:s5+$0x0]  }
0x105: {  	v42 =	vadd.s32 $0x400, v11;
	s1 =	sadd.s32 s1, s11;
	[tilespmem:v31+s4+$0x0] =	vst.idx.add.f32.msk $0xffff, v1  }
0x106: {  	v43 =	vadd.s32 $0x800, v11;
	s1 =	sadd.s32 s15, s1;
	v31 =	vld [tilespmem:s3+$0xDC00]  }
0x107: {  	v44 =	vadd.s32 $0xC00, v11;
	v27 =	vld [tilespmem:s1+$0x0]  }
0x108: {  	v45 =	vadd.s32 $0x1000, v11;
	[tilespmem:v40+s4+$0x0] =	vst.idx.add.f32.msk $0xffff, v1  }
0x109: {  	v59 =	vadd.s32 $0x1400, v11;
	[tilespmem:v11+s4+$0x0] =	vst.idx.add.f32.msk $0xffff, v29  }
0x10a: {  	v29 =	vadd.s32 $0x1800, v11;
	[tilespmem:v42+s4+$0x0] =	vst.idx.add.f32.msk $0xffff, v37  }
0x10b: {  	v60 =	vadd.s32 $0x1C00, v11;
	[tilespmem:v43+s4+$0x0] =	vst.idx.add.f32.msk $0xffff, v41  }
0x10c: {  	v61 =	vadd.s32 $0x2000, v11;
	[tilespmem:v44+s4+$0x0] =	vst.idx.add.f32.msk $0xffff, v38  }
0x10d: {  	v62 =	vadd.s32 $0x2400, v11;
	[tilespmem:v45+s4+$0x0] =	vst.idx.add.f32.msk $0xffff, v33  }
0x10e: {  	v63 =	vadd.s32 $0x2800, v11;
	[tilespmem:v59+s4+$0x0] =	vst.idx.add.f32.msk $0xffff, v32  }
0x10f: {  	[tilespmem:v29+s4+$0x0] =	vst.idx.add.f32.msk $0xffff, v35  }
0x110: {  	[tilespmem:v60+s4+$0x0] =	vst.idx.add.f32.msk $0xffff, v34  }
0x111: {  	[tilespmem:v61+s4+$0x0] =	vst.idx.add.f32.msk $0xffff, v30  }
0x112: {  	[tilespmem:v62+s4+$0x0] =	vst.idx.add.f32.msk $0xffff, v36  }
0x113: {  	s23 =	simm.s32 $0x40;
	s12 =	simm.s32 $0x1;
	s13 =	simm.s32 $0x180;
	v32 =	vadd.s32 $0x400, v2;
	v30 =	vadd.s32 $0x800, v2;
	[tilespmem:v63+s4+$0x0] =	vst.idx.add.f32.msk $0xffff, v39  }
.LBB2_10:
0x114: {  	_ =	sdelay $0x2  }
0x115: {  	s1 =	sadd.s32 $0xFFFFFFF0, s23;
	s19 =	sand.u32 $0xC00, s13;
	[tilespmem:v2+s4+$0x0] =	vst.idx.add.f32.msk $0xffff, v8;
	s7 =	rddreg [dreg:$0x7]  }
0x116: {  	v8 =	vmov v31;
	v31 =	vadd.s32 $0xC00, v2;
	s28 =	sand.u32 $0x70, s1;
	s21 =	sor.u32 s7, s19;
	[tilespmem:v32+s4+$0x0] =	vst.idx.add.f32.msk $0xffff, v9  }
0x117: {  	s0 =	rddreg [dreg:$0xb];
	v9 =	vmov v28;
	v28 =	vadd.s32 $0x1000, v2;
	s1 =	sor.u32 s28, s21;
	[tilespmem:v30+s4+$0x0] =	vst.idx.add.f32.msk $0xffff, v7  }
0x118: {  	s5 =	sadd.s32 s19, s0;
	v7 =	vmov v25;
	v25 =	vadd.s32 $0x1400, v2;
	v30 =	vld [tilespmem:s1+$0xDC00]  }
0x119: {  	v33 =	vadd.s32 $0x1800, v2;
	s5 =	sadd.s32 s28, s5;
	v32 =	vld [tilespmem:s1+$0x4000]  }
0x11a: {  	v34 =	vadd.s32 $0x1C00, v2;
	v29 =	vld [tilespmem:s5+$0x0]  }
0x11b: {  	[tilespmem:v31+s4+$0x0] =	vst.idx.add.f32.msk $0xffff, v5;
	v31 =	vadd.s32 $0x2000, v2  }
0x11c: {  	[tilespmem:v28+s4+$0x0] =	vst.idx.add.f32.msk $0xffff, v3  }
0x11d: {  	s3 =	sadd.s32 $0x80, s13;
	s26 =	rddreg [dreg:$0xd];
	[tilespmem:v25+s4+$0x0] =	vst.idx.add.f32.msk $0xffff, v4  }
0x11e: {  	s20 =	sand.u32 $0x70, s23;
	s8 =	rddreg [dreg:$0x13];
	s18 =	sand.u32 $0x1C00, s3;
	v3 =	vmov v14;
	v14 =	vadd.s32 $0x2400, v2;
	[tilespmem:v33+s4+$0x0] =	vst.idx.add.f32.msk $0xffff, v6  }
0x11f: {  	s6 =	sadd.s32 s19, s26;
	s31 =	sadd.s32 s19, s8;
	s0 =	sadd.s32 s18, s0;
	v5 =	vmov v21;
	v21 =	vadd.s32 $0x2800, v2;
	[tilespmem:v34+s4+$0x0] =	vst.idx.add.f32.msk $0xffff, v10  }
0x120: {  	s17 =	sadd.s32 s19, s11;
	s7 =	sor.u32 s7, s20;
	s0 =	sadd.s32 s20, s0;
	[tilespmem:v31+s4+$0x0] =	vst.idx.add.f32.msk $0xffff, v16  }
0x121: {  	s29 =	sadd.s32 s28, s6;
	s24 =	sadd.s32 s18, s8;
	s8 =	rddreg [dreg:$0xf];
	v10 =	vmov v22;
	v22 =	vadd.s32 $0x2C00, v2;
	v16 =	vmov v13;
	v13 =	vld [tilespmem:s0+$0x0]  }
0x122: {  	s15 =	sadd.s32 s18, s8;
	v4 =	vmov v23;
	v25 =	vadd.s32 $0x2C00, v11;
	v23 =	vld [tilespmem:s29+$0x0];
	s29 =	sor.u32 s18, s7;
	s7 =	rddreg [dreg:$0x9]  }
0x123: {  	s21 =	sadd.s32 s20, s15;
	s15 =	sadd.s32 s28, s17;
	[tilespmem:v14+s4+$0x0] =	vst.idx.add.f32.msk $0xffff, v18;
	s17 =	sadd.s32 s18, s7  }
0x124: {  	[tilespmem:v21+s4+$0x0] =	vst.idx.add.f32.msk $0xffff, v19;
	s17 =	sadd.s32 s20, s17  }
0x125: {  	s2 =	rddreg [dreg:$0x15];
	v14 =	vld [tilespmem:s17+$0x0]  }
0x126: {  	s22 =	rddreg [dreg:$0x11];
	[tilespmem:v22+s4+$0x0] =	vst.idx.add.f32.msk $0xffff, v20  }
0x127: {  	s14 =	rddreg [dreg:$0x17];
	s25 =	sadd.s32 s18, s22;
	[tilespmem:v25+s4+$0x0] =	vst.idx.add.f32.msk $0xffff, v12  }
0x128: {  	s16 =	sadd.s32 s18, s2;
	s1 =	sadd.s32 s19, s2;
	s6 =	sadd.s32 s20, s25;
	v25 =	vld [tilespmem:s21+$0x0]  }
0x129: {  	s2 =	sadd.s32 s19, s14;
	s14 =	sadd.s32 s18, s14;
	s24 =	sadd.s32 s20, s24;
	v28 =	vld [tilespmem:s6+$0x0]  }
0x12a: {  	s5 =	sadd.s32 s20, s14;
	s14 =	sadd.s32 s28, s1;
	s7 =	sadd.s32 s19, s7;
	v21 =	vld [tilespmem:s24+$0x0]  }
0x12b: {  	s7 =	sadd.s32 s28, s7;
	v61 =	vld [tilespmem:s14+$0x0]  }
0x12c: {  	s3 =	sadd.s32 s19, s22;
	s22 =	sadd.s32 s19, s9;
	s2 =	sadd.s32 s28, s2;
	v33 =	vld [tilespmem:s7+$0x0]  }
0x12d: {  	s30 =	sadd.s32 s19, s10;
	s22 =	sadd.s32 s28, s22;
	v34 =	vld [tilespmem:s2+$0x0]  }
0x12e: {  	s30 =	sadd.s32 s28, s30;
	v35 =	vld [tilespmem:s22+$0x0]  }
0x12f: {  	s3 =	sadd.s32 s28, s3;
	s25 =	sadd.s32 s18, s9;
	v36 =	vld [tilespmem:s30+$0x0]  }
0x130: {  	s25 =	sadd.s32 s20, s25;
	v37 =	vld [tilespmem:s3+$0x0]  }
0x131: {  	v6 =	vmov v26;
	v26 =	vld [tilespmem:s25+$0x0]  }
0x132: {  	s31 =	sadd.s32 s28, s31;
	v22 =	vld [tilespmem:s5+$0x0]  }
0x133: {  	s26 =	sadd.s32 s18, s26;
	v40 =	vld [tilespmem:s31+$0x0]  }
0x134: {  	s26 =	sadd.s32 s20, s26;
	s1 =	sadd.s32 s18, s11;
	s18 =	sadd.s32 s18, s10;
	v41 =	vld [tilespmem:s15+$0x0]  }
0x135: {  	v31 =	vadd.s32 $0x3000, v15;
	s17 =	sadd.s32 s20, s18;
	v20 =	vmov v17;
	v17 =	vld [tilespmem:s26+$0x0]  }
0x136: {  	v18 =	vmov v24;
	s19 =	sadd.s32 s19, s8;
	v24 =	vld [tilespmem:s17+$0x0]  }
0x137: {  	v11 =	vmov v32;
	v2 =	vmov v15;
	s19 =	sadd.s32 s28, s19;
	v15 =	vld [tilespmem:s29+$0x4000]  }
0x138: {  	s1 =	sadd.s32 s20, s1;
	v38 =	vadd.s32 $0x3000, v11;
	v44 =	vld [tilespmem:s19+$0x0]  }
0x139: {  	v19 =	vmov v27;
	v27 =	vld [tilespmem:s1+$0x0]  }
0x13a: {  	v39 =	vadd.s32 $0x400, v11;
	[tilespmem:v31+s4+$0x0] =	vst.idx.add.f32.msk $0xffff, v1  }
0x13b: {  	s16 =	sadd.s32 s20, s16;
	v42 =	vadd.s32 $0x800, v11;
	v31 =	vld [tilespmem:s29+$0xDC00]  }
0x13c: {  	v43 =	vadd.s32 $0xC00, v11;
	v12 =	vmov v23;
	v23 =	vld [tilespmem:s16+$0x0]  }
0x13d: {  	v45 =	vadd.s32 $0x1000, v11;
	[tilespmem:v38+s4+$0x0] =	vst.idx.add.f32.msk $0xffff, v1  }
0x13e: {  	v46 =	vadd.s32 $0x1400, v11;
	[tilespmem:v11+s4+$0x0] =	vst.idx.add.f32.msk $0xffff, v30  }
0x13f: {  	v47 =	vadd.s32 $0x1800, v11;
	[tilespmem:v39+s4+$0x0] =	vst.idx.add.f32.msk $0xffff, v37  }
0x140: {  	v48 =	vadd.s32 $0x1C00, v11;
	[tilespmem:v42+s4+$0x0] =	vst.idx.add.f32.msk $0xffff, v44  }
0x141: {  	v62 =	vadd.s32 $0x2000, v11;
	[tilespmem:v43+s4+$0x0] =	vst.idx.add.f32.msk $0xffff, v40  }
0x142: {  	s12 =	sadd.s32 $0x2, s12;
	v49 =	vadd.s32 $0x2400, v11;
	[tilespmem:v45+s4+$0x0] =	vst.idx.add.f32.msk $0xffff, v33  }
0x143: {  	p0 =	slt.u32 s12, $0x15;
	v63 =	vadd.s32 $0x2800, v11;
	[tilespmem:v46+s4+$0x0] =	vst.idx.add.f32.msk $0xffff, v61  }
.Ltmp3:
0x144: {  	[tilespmem:v47+s4+$0x0] =	vst.idx.add.f32.msk $0xffff, v35;
	(pc) =	sbr.rel @p0 .LBB2_10-.Ltmp3, $4  }
0x145: {  	[tilespmem:v48+s4+$0x0] =	vst.idx.add.f32.msk $0xffff, v34  }
0x146: {  	[tilespmem:v62+s4+$0x0] =	vst.idx.add.f32.msk $0xffff, v29  }
0x147: {  	[tilespmem:v49+s4+$0x0] =	vst.idx.add.f32.msk $0xffff, v36  }
0x148: {  	s13 =	sadd.s32 $0x100, s13;
	s23 =	sadd.s32 $0x20, s23;
	v32 =	vadd.s32 $0x400, v2;
	v30 =	vadd.s32 $0x800, v2;
	[tilespmem:v63+s4+$0x0] =	vst.idx.add.f32.msk $0xffff, v41  }
0x149: {  	_ =	sdelay $0x1  }
0x14a: {  	v29 =	vadd.s32 $0xC00, v2  }
0x14b: {  	v42 =	vadd.s32 $0x2C00, v11  }
0x14c: {  	v33 =	vadd.s32 $0x1000, v2;
	[tilespmem:v2+s4+$0x0] =	vst.idx.add.f32.msk $0xffff, v8  }
0x14d: {  	v37 =	vadd.s32 $0x1400, v2;
	[tilespmem:v32+s4+$0x0] =	vst.idx.add.f32.msk $0xffff, v9  }
0x14e: {  	v38 =	vadd.s32 $0x1800, v2;
	[tilespmem:v30+s4+$0x0] =	vst.idx.add.f32.msk $0xffff, v7  }
0x14f: {  	v39 =	vadd.s32 $0x1C00, v2;
	[tilespmem:v29+s4+$0x0] =	vst.idx.add.f32.msk $0xffff, v5  }
0x150: {  	v40 =	vadd.s32 $0x2000, v2;
	[tilespmem:v42+s4+$0x0] =	vst.idx.add.f32.msk $0xffff, v12  }
0x151: {  	[tilespmem:v33+s4+$0x0] =	vst.idx.add.f32.msk $0xffff, v3;
	v3 =	vadd.s32 $0x2400, v2  }
0x152: {  	v41 =	vadd.s32 $0x2800, v2;
	[tilespmem:v37+s4+$0x0] =	vst.idx.add.f32.msk $0xffff, v4  }
0x153: {  	v2 =	vadd.s32 $0x2C00, v2;
	[tilespmem:v38+s4+$0x0] =	vst.idx.add.f32.msk $0xffff, v6  }
0x154: {  	[tilespmem:v39+s4+$0x0] =	vst.idx.add.f32.msk $0xffff, v10  }
0x155: {  	[tilespmem:v40+s4+$0x0] =	vst.idx.add.f32.msk $0xffff, v16  }
0x156: {  	[tilespmem:v3+s4+$0x0] =	vst.idx.add.f32.msk $0xffff, v18  }
0x157: {  	[tilespmem:v41+s4+$0x0] =	vst.idx.add.f32.msk $0xffff, v19  }
0x158: {  	[tilespmem:v2+s4+$0x0] =	vst.idx.add.f32.msk $0xffff, v20  }
0x159: {  	s0 =	rddreg [dreg:$0x7]  }
0x15a: {  	v2 =	vld [tilespmem:s0+$0x4870]  }
0x15b: {  	v3 =	vld [tilespmem:s0+$0xE470]  }
0x15c: {  	v4 =	vld [tilespmem:s0+$0xF070]  }
0x15d: {  	v5 =	vld [tilespmem:s0+$0xFC70]  }
0x15e: {  	v6 =	vld [tilespmem:s0+$0x10870]  }
0x15f: {  	v7 =	vld [tilespmem:s0+$0x11470]  }
0x160: {  	v8 =	vld [tilespmem:s0+$0x12070]  }
0x161: {  	v9 =	vld [tilespmem:s0+$0x12C70]  }
0x162: {  	v43 =	vadd.s32 $0x3000, v15;
	v10 =	vld [tilespmem:s0+$0x13870]  }
0x163: {  	v12 =	vld [tilespmem:s0+$0x14470]  }
0x164: {  	v44 =	vadd.s32 $0x400, v15;
	v16 =	vld [tilespmem:s0+$0x15070]  }
0x165: {  	v45 =	vadd.s32 $0x800, v15;
	v19 =	vld [tilespmem:s0+$0x15C70]  }
0x166: {  	v46 =	vadd.s32 $0xC00, v15;
	v29 =	vld [tilespmem:s0+$0x16870]  }
0x167: {  	v47 =	vadd.s32 $0x1000, v15;
	[tilespmem:v43+s4+$0x0] =	vst.idx.add.f32.msk $0xffff, v1  }
0x168: {  	v48 =	vadd.s32 $0x1400, v15;
	[tilespmem:v15+s4+$0x0] =	vst.idx.add.f32.msk $0xffff, v31  }
0x169: {  	v49 =	vadd.s32 $0x1800, v15;
	[tilespmem:v44+s4+$0x0] =	vst.idx.add.f32.msk $0xffff, v28  }
0x16a: {  	v50 =	vadd.s32 $0x1C00, v15;
	[tilespmem:v45+s4+$0x0] =	vst.idx.add.f32.msk $0xffff, v25  }
0x16b: {  	v51 =	vadd.s32 $0x2000, v15;
	[tilespmem:v46+s4+$0x0] =	vst.idx.add.f32.msk $0xffff, v21  }
0x16c: {  	v52 =	vadd.s32 $0x2400, v15;
	[tilespmem:v47+s4+$0x0] =	vst.idx.add.f32.msk $0xffff, v14  }
0x16d: {  	v53 =	vadd.s32 $0x2800, v15;
	[tilespmem:v48+s4+$0x0] =	vst.idx.add.f32.msk $0xffff, v23  }
0x16e: {  	v54 =	vadd.s32 $0x2C00, v15;
	[tilespmem:v49+s4+$0x0] =	vst.idx.add.f32.msk $0xffff, v26  }
0x16f: {  	v55 =	vadd.s32 $0x3000, v2;
	[tilespmem:v50+s4+$0x0] =	vst.idx.add.f32.msk $0xffff, v22  }
0x170: {  	[tilespmem:v51+s4+$0x0] =	vst.idx.add.f32.msk $0xffff, v13  }
0x171: {  	v56 =	vadd.s32 $0x400, v2;
	[tilespmem:v52+s4+$0x0] =	vst.idx.add.f32.msk $0xffff, v24  }
0x172: {  	v57 =	vadd.s32 $0x800, v2;
	[tilespmem:v53+s4+$0x0] =	vst.idx.add.f32.msk $0xffff, v27  }
0x173: {  	v58 =	vadd.s32 $0xC00, v2;
	[tilespmem:v54+s4+$0x0] =	vst.idx.add.f32.msk $0xffff, v17  }
0x174: {  	v59 =	vadd.s32 $0x1000, v2;
	[tilespmem:v55+s4+$0x0] =	vst.idx.add.f32.msk $0xffff, v1  }
0x175: {  	[tilespmem:v2+s4+$0x0] =	vst.idx.add.f32.msk $0xffff, v3;
	v3 =	vadd.s32 $0x1400, v2  }
0x176: {  	v60 =	vadd.s32 $0x1800, v2;
	[tilespmem:v56+s4+$0x0] =	vst.idx.add.f32.msk $0xffff, v4  }
0x177: {  	s31 =	sld [smem:$0x7F8];
	v61 =	vadd.s32 $0x1C00, v2;
	[tilespmem:v57+s4+$0x0] =	vst.idx.add.f32.msk $0xffff, v5  }
0x178: {  	v62 =	vadd.s32 $0x2000, v2;
	[tilespmem:v58+s4+$0x0] =	vst.idx.add.f32.msk $0xffff, v6  }
0x179: {  	v63 =	vadd.s32 $0x2400, v2;
	[tilespmem:v59+s4+$0x0] =	vst.idx.add.f32.msk $0xffff, v7  }
0x17a: {  	s0 =	sadd.s32 $0x1, s31;
	[tilespmem:v3+s4+$0x0] =	vst.idx.add.f32.msk $0xffff, v8;
	v3 =	vadd.s32 $0x2800, v2  }
0x17b: {  	p0 =	sne.s32 s0, $0x8;
	v2 =	vadd.s32 $0x2C00, v2;
	[tilespmem:v60+s4+$0x0] =	vst.idx.add.f32.msk $0xffff, v9  }
.Ltmp4:
0x17c: {  	[tilespmem:v61+s4+$0x0] =	vst.idx.add.f32.msk $0xffff, v10;
	(pc) =	sbr.rel @p0 .LBB2_9-.Ltmp4, $4  }
0x17d: {  	[tilespmem:v62+s4+$0x0] =	vst.idx.add.f32.msk $0xffff, v12  }
0x17e: {  	[tilespmem:v63+s4+$0x0] =	vst.idx.add.f32.msk $0xffff, v16  }
0x17f: {  	[tilespmem:v3+s4+$0x0] =	vst.idx.add.f32.msk $0xffff, v19  }
0x180: {  	[tilespmem:v2+s4+$0x0] =	vst.idx.add.f32.msk $0xffff, v29  }
0x181: {  	s0 =	sld [smem:$0x7FA];
	_ =	sdelay $0x2  }
0x182: {  	s0 =	sadd.s32 $0x1, s0  }
0x183: {  	p0 =	sne.s32 s0, $0x18  }
.Ltmp5:
0x184: {  	_ = 	snop;
	(pc) =	sbr.rel @p0 .LBB2_4-.Ltmp5, $1  }
0x185: {  	_ =	sdelay $0x3  }
0x186: {  	s2 =	simm.s32 $0x0  }
0x187: {  	s0 =	sand.u32 $0x3F0, s2  }
0x188: {  	v2 =	vld [tilespmem:s0+$0x3000];
	_ =	sdelay $0x4  }
0x189: {  	(erf) = vrcp.f32 v2;
	_ =	sdelay $0x2  }
0x18a: {  	s1 =	simm.s32 $0x10;
	s3 =	simm.s32 $0x0  }
.LBB2_14:
0x18b: {  	p0 =	sne.s32 s1, $0x3F0  }
0x18c: {  	v2 =	vld [tilespmem:s2+$0x0];
	s3 =	sadd.s32 $0x10, s3;
	s5 =	smov.u32 s1;
	s1 =	sadd.s32 $0x10, s1  }
0x18d: {  	s5 =	sand.u32 $0x3F0, s5;
	_ =	sdelay $0x2  }
0x18e: {  	v3 =	vpop (erf)  }
0x18f: {  	v2 =	vmul.f32 v3, v2;
	_ =	sdelay $0x1  }
0x190: {  	[tilespmem:s2+$0x0] =	vst v2;
	s2 =	smov.u32 s3  }
0x191: {  	v2 =	vld [tilespmem:s0+$0x2800]  }
0x192: {  	v4 =	vld [tilespmem:s0+$0x1000]  }
0x193: {  	v5 =	vld [tilespmem:s5+$0x3000]  }
0x194: {  	v6 =	vld [tilespmem:s0+$0x2400]  }
0x195: {  	v7 =	vld [tilespmem:s0+$0x2000]  }
0x196: {  	v8 =	vld [tilespmem:s0+$0x1400];
	v2 =	vmul.f32 v2, v3  }
0x197: {  	v9 =	vld [tilespmem:s0+$0x800];
	v4 =	vmul.f32 v4, v3  }
0x198: {  	v10 =	vld [tilespmem:s0+$0x2C00]  }
0x199: {  	v11 =	vld [tilespmem:s0+$0x1C00];
	v6 =	vmul.f32 v6, v3;
	[tilespmem:s0+$0x2800] =	vst v2  }
0x19a: {  	[tilespmem:s0+$0x1000] =	vst v4;
	v2 =	vld [tilespmem:s0+$0x1800];
	v4 =	vmul.f32 v7, v3  }
0x19b: {  	v7 =	vld [tilespmem:s0+$0x400];
	v8 =	vmul.f32 v8, v3;
	[tilespmem:s0+$0x2400] =	vst v6  }
0x19c: {  	v6 =	vmul.f32 v9, v3;
	v9 =	vld [tilespmem:s0+$0xC00];
	[tilespmem:s0+$0x2000] =	vst v4  }
0x19d: {  	[tilespmem:s0+$0x1400] =	vst v8;
	v4 =	vmul.f32 v10, v3  }
0x19e: {  	[tilespmem:s0+$0x800] =	vst v6;
	v6 =	vmul.f32 v11, v3  }
.Ltmp6:
0x19f: {  	(erf) = vrcp.f32 v5;
	v2 =	vmul.f32 v2, v3;
	[tilespmem:s0+$0x2C00] =	vst v4;
	(pc) =	sbr.rel @p0 .LBB2_14-.Ltmp6, $4  }
0x1a0: {  	v4 =	vmul.f32 v7, v3;
	[tilespmem:s0+$0x1C00] =	vst v6  }
0x1a1: {  	v3 =	vmul.f32 v9, v3;
	[tilespmem:s0+$0x1800] =	vst v2  }
0x1a2: {  	[tilespmem:s0+$0x400] =	vst v4  }
0x1a3: {  	[tilespmem:s0+$0xC00] =	vst v3;
	s0 =	smov.u32 s5  }
0x1a4: {  	v2 =	vld [tilespmem:s2+$0x0];
	_ =	sdelay $0x3  }
0x1a5: {  	v3 =	vpop (erf)  }
0x1a6: {  	v2 =	vmul.f32 v3, v2;
	_ =	sdelay $0x1  }
0x1a7: {  	[tilespmem:s2+$0x0] =	vst v2  }
0x1a8: {  	v2 =	vld [tilespmem:s0+$0x2800]  }
0x1a9: {  	v4 =	vld [tilespmem:s0+$0x1000]  }
0x1aa: {  	v6 =	vld [tilespmem:s0+$0x2000]  }
0x1ab: {  	v5 =	vld [tilespmem:s0+$0x2400]  }
0x1ac: {  	v8 =	vld [tilespmem:s0+$0x800]  }
0x1ad: {  	v7 =	vld [tilespmem:s0+$0x1400];
	v2 =	vmul.f32 v2, v3  }
0x1ae: {  	v10 =	vld [tilespmem:s0+$0x1C00];
	v4 =	vmul.f32 v4, v3  }
0x1af: {  	v9 =	vld [tilespmem:s0+$0x2C00];
	v6 =	vmul.f32 v6, v3;
	[tilespmem:s0+$0x2800] =	vst v2  }
0x1b0: {  	[tilespmem:s0+$0x1000] =	vst v4;
	v2 =	vmul.f32 v5, v3;
	v4 =	vld [tilespmem:s0+$0x1800]  }
0x1b1: {  	v8 =	vmul.f32 v8, v3;
	v5 =	vld [tilespmem:s0+$0x400];
	[tilespmem:s0+$0x2000] =	vst v6  }
0x1b2: {  	[tilespmem:s0+$0x2400] =	vst v2;
	v2 =	vmul.f32 v7, v3;
	v7 =	vld [tilespmem:s0+$0xC00]  }
0x1b3: {  	[tilespmem:s0+$0x800] =	vst v8;
	v6 =	vmul.f32 v10, v3  }
0x1b4: {  	[tilespmem:s0+$0x1400] =	vst v2;
	v2 =	vmul.f32 v9, v3  }
0x1b5: {  	[tilespmem:s0+$0x1C00] =	vst v6;
	v4 =	vmul.f32 v4, v3  }
0x1b6: {  	[tilespmem:s0+$0x2C00] =	vst v2;
	v2 =	vmul.f32 v5, v3  }
0x1b7: {  	v3 =	vmul.f32 v7, v3;
	[tilespmem:s0+$0x1800] =	vst v4  }
0x1b8: {  	s28 =	simm.s32 $0x0;
	[tilespmem:s0+$0x400] =	vst v2  }
0x1b9: {  	s1 =	rddreg [dreg:$0x1c];
	s29 =	simm.s32 $0x16C00;
	s3 =	simm.s32 $0x3;
	[tilespmem:s0+$0xC00] =	vst v3  }
0x1ba: {  	[tilespmem:s29], [sflag:$0x3] =	stream.linear.gather [hbm4b:s1+s28], $0x100, $0x38;
	[tilespmem:$0x18600] =	vst v63  }
0x1bb: {  	_ =	swait.ge [sflag:s3], $0x100  }
0x1bc: {  	[sflag:s3] =	ssyncset.done $0x0  }
0x1bd: {  	s31 =	simm.s32 $0x16D00;
	s30 =	rddreg [dreg:$0x1d];
	[sflag:s3] =	ssyncadd.s32 $0xFFFFFF00  }
0x1be: {  	[tilespmem:s31], [sflag:$0x3] =	stream.linear.gather [hbm4b:s30+s28], $0x100, $0x38;
	[tilespmem:$0x18600] =	vst v63  }
0x1bf: {  	_ =	swait.ge [sflag:s3], $0x100  }
0x1c0: {  	[sflag:s3] =	ssyncset.done $0x0  }
0x1c1: {  	s0 =	simm.s32 $0x0;
	[sflag:s3] =	ssyncadd.s32 $0xFFFFFF00  }
0x1c2: {  	v2 =	vld [tilespmem:s0+$0x16C00];
	_ =	sdelay $0x5  }
0x1c3: {  	v3 =	vld [tilespmem:s0+$0x16D00];
	_ =	sdelay $0x1  }
0x1c4: {  	v4 =	vld.idx.msk [tilespmem:v2+s4+$0x0], $0xffff;
	_ =	sdelay $0x4  }
0x1c5: {  	[tilespmem:s0+$0x16E00] =	vst v4  }
0x1c6: {  	v4 =	vld.idx.msk [tilespmem:v3+s4+$0x0], $0xffff  }
0x1c7: {  	v5 =	vadd.s32 $0x400, v2;
	_ =	sdelay $0x3  }
0x1c8: {  	[tilespmem:s0+$0x17A00] =	vst v4  }
0x1c9: {  	v4 =	vld.idx.msk [tilespmem:v5+s4+$0x0], $0xffff  }
0x1ca: {  	v5 =	vadd.s32 $0x400, v3;
	_ =	sdelay $0x3  }
0x1cb: {  	[tilespmem:s0+$0x16F00] =	vst v4  }
0x1cc: {  	v4 =	vld.idx.msk [tilespmem:v5+s4+$0x0], $0xffff  }
0x1cd: {  	v5 =	vadd.s32 $0x800, v2;
	_ =	sdelay $0x3  }
0x1ce: {  	[tilespmem:s0+$0x17B00] =	vst v4  }
0x1cf: {  	v4 =	vld.idx.msk [tilespmem:v5+s4+$0x0], $0xffff  }
0x1d0: {  	v5 =	vadd.s32 $0x800, v3;
	_ =	sdelay $0x3  }
0x1d1: {  	[tilespmem:s0+$0x17000] =	vst v4  }
0x1d2: {  	v4 =	vld.idx.msk [tilespmem:v5+s4+$0x0], $0xffff  }
0x1d3: {  	v5 =	vadd.s32 $0xC00, v2;
	_ =	sdelay $0x3  }
0x1d4: {  	[tilespmem:s0+$0x17C00] =	vst v4  }
0x1d5: {  	v4 =	vld.idx.msk [tilespmem:v5+s4+$0x0], $0xffff  }
0x1d6: {  	v5 =	vadd.s32 $0xC00, v3;
	_ =	sdelay $0x3  }
0x1d7: {  	[tilespmem:s0+$0x17100] =	vst v4  }
0x1d8: {  	v4 =	vld.idx.msk [tilespmem:v5+s4+$0x0], $0xffff  }
0x1d9: {  	v5 =	vadd.s32 $0x1000, v2;
	_ =	sdelay $0x3  }
0x1da: {  	[tilespmem:s0+$0x17D00] =	vst v4  }
0x1db: {  	v4 =	vld.idx.msk [tilespmem:v5+s4+$0x0], $0xffff  }
0x1dc: {  	v5 =	vadd.s32 $0x1000, v3;
	_ =	sdelay $0x3  }
0x1dd: {  	[tilespmem:s0+$0x17200] =	vst v4  }
0x1de: {  	v4 =	vld.idx.msk [tilespmem:v5+s4+$0x0], $0xffff  }
0x1df: {  	v5 =	vadd.s32 $0x1400, v2;
	_ =	sdelay $0x3  }
0x1e0: {  	[tilespmem:s0+$0x17E00] =	vst v4  }
0x1e1: {  	v4 =	vld.idx.msk [tilespmem:v5+s4+$0x0], $0xffff  }
0x1e2: {  	v5 =	vadd.s32 $0x1400, v3;
	_ =	sdelay $0x3  }
0x1e3: {  	[tilespmem:s0+$0x17300] =	vst v4  }
0x1e4: {  	v4 =	vld.idx.msk [tilespmem:v5+s4+$0x0], $0xffff  }
0x1e5: {  	v5 =	vadd.s32 $0x1800, v2;
	_ =	sdelay $0x3  }
0x1e6: {  	[tilespmem:s0+$0x17F00] =	vst v4  }
0x1e7: {  	v4 =	vld.idx.msk [tilespmem:v5+s4+$0x0], $0xffff  }
0x1e8: {  	v5 =	vadd.s32 $0x1800, v3;
	_ =	sdelay $0x3  }
0x1e9: {  	[tilespmem:s0+$0x17400] =	vst v4  }
0x1ea: {  	v4 =	vld.idx.msk [tilespmem:v5+s4+$0x0], $0xffff  }
0x1eb: {  	v5 =	vadd.s32 $0x1C00, v2;
	_ =	sdelay $0x3  }
0x1ec: {  	[tilespmem:s0+$0x18000] =	vst v4  }
0x1ed: {  	v4 =	vld.idx.msk [tilespmem:v5+s4+$0x0], $0xffff  }
0x1ee: {  	v5 =	vadd.s32 $0x1C00, v3;
	_ =	sdelay $0x3  }
0x1ef: {  	[tilespmem:s0+$0x17500] =	vst v4  }
0x1f0: {  	v4 =	vld.idx.msk [tilespmem:v5+s4+$0x0], $0xffff  }
0x1f1: {  	v5 =	vadd.s32 $0x2000, v2;
	_ =	sdelay $0x3  }
0x1f2: {  	[tilespmem:s0+$0x18100] =	vst v4  }
0x1f3: {  	v4 =	vld.idx.msk [tilespmem:v5+s4+$0x0], $0xffff  }
0x1f4: {  	v5 =	vadd.s32 $0x2000, v3;
	_ =	sdelay $0x3  }
0x1f5: {  	[tilespmem:s0+$0x17600] =	vst v4  }
0x1f6: {  	v4 =	vld.idx.msk [tilespmem:v5+s4+$0x0], $0xffff  }
0x1f7: {  	v5 =	vadd.s32 $0x2400, v2;
	_ =	sdelay $0x3  }
0x1f8: {  	[tilespmem:s0+$0x18200] =	vst v4  }
0x1f9: {  	v4 =	vld.idx.msk [tilespmem:v5+s4+$0x0], $0xffff  }
0x1fa: {  	v5 =	vadd.s32 $0x2400, v3;
	_ =	sdelay $0x3  }
0x1fb: {  	[tilespmem:s0+$0x17700] =	vst v4  }
0x1fc: {  	v4 =	vld.idx.msk [tilespmem:v5+s4+$0x0], $0xffff  }
0x1fd: {  	v5 =	vadd.s32 $0x2800, v2;
	_ =	sdelay $0x3  }
0x1fe: {  	[tilespmem:s0+$0x18300] =	vst v4  }
0x1ff: {  	v4 =	vld.idx.msk [tilespmem:v5+s4+$0x0], $0xffff  }
0x200: {  	v5 =	vadd.s32 $0x2800, v3;
	_ =	sdelay $0x3  }
0x201: {  	[tilespmem:s0+$0x17800] =	vst v4  }
0x202: {  	v4 =	vld.idx.msk [tilespmem:v5+s4+$0x0], $0xffff  }
0x203: {  	v2 =	vadd.s32 $0x2C00, v2;
	_ =	sdelay $0x3  }
0x204: {  	[tilespmem:s0+$0x18400] =	vst v4  }
0x205: {  	v4 =	vld.idx.msk [tilespmem:v2+s4+$0x0], $0xffff  }
0x206: {  	v3 =	vadd.s32 $0x2C00, v3;
	_ =	sdelay $0x2  }
0x207: {  	s7 =	simm.s32 $0x10;
	s2 =	simm.s32 $0x80  }
.LBB2_16:
0x208: {  	p0 =	sne.s32 s2, $0x3C0;
	v2 =	vld [tilespmem:s7+$0x16C00];
	[tilespmem:s0+$0x17900] =	vst v4  }
0x209: {  	v4 =	vld.idx.msk [tilespmem:v3+s4+$0x0], $0xffff;
	_ =	sdelay $0x5  }
0x20a: {  	v3 =	vld [tilespmem:s7+$0x16D00];
	[tilespmem:s0+$0x18500] =	vst v4;
	s0 =	smov.u32 s7  }
0x20b: {  	v4 =	vld.idx.msk [tilespmem:v2+s4+$0x0], $0xffff;
	_ =	sdelay $0x5  }
0x20c: {  	[tilespmem:s0+$0x16E00] =	vst v4  }
0x20d: {  	v4 =	vld.idx.msk [tilespmem:v3+s4+$0x0], $0xffff;
	_ =	sdelay $0x1  }
0x20e: {  	v5 =	vadd.s32 $0x400, v2;
	_ =	sdelay $0x3  }
0x20f: {  	[tilespmem:s0+$0x17A00] =	vst v4  }
0x210: {  	v4 =	vld.idx.msk [tilespmem:v5+s4+$0x0], $0xffff;
	_ =	sdelay $0x1  }
0x211: {  	v5 =	vadd.s32 $0x400, v3;
	_ =	sdelay $0x3  }
0x212: {  	[tilespmem:s0+$0x16F00] =	vst v4  }
0x213: {  	v4 =	vld.idx.msk [tilespmem:v5+s4+$0x0], $0xffff;
	_ =	sdelay $0x1  }
0x214: {  	v5 =	vadd.s32 $0x800, v2;
	_ =	sdelay $0x3  }
0x215: {  	[tilespmem:s0+$0x17B00] =	vst v4  }
0x216: {  	v4 =	vld.idx.msk [tilespmem:v5+s4+$0x0], $0xffff;
	_ =	sdelay $0x1  }
0x217: {  	v5 =	vadd.s32 $0x800, v3;
	_ =	sdelay $0x3  }
0x218: {  	[tilespmem:s0+$0x17000] =	vst v4  }
0x219: {  	v4 =	vld.idx.msk [tilespmem:v5+s4+$0x0], $0xffff;
	_ =	sdelay $0x1  }
0x21a: {  	v5 =	vadd.s32 $0xC00, v2;
	_ =	sdelay $0x3  }
0x21b: {  	[tilespmem:s0+$0x17C00] =	vst v4  }
0x21c: {  	v4 =	vld.idx.msk [tilespmem:v5+s4+$0x0], $0xffff;
	_ =	sdelay $0x1  }
0x21d: {  	v5 =	vadd.s32 $0xC00, v3;
	_ =	sdelay $0x3  }
0x21e: {  	[tilespmem:s0+$0x17100] =	vst v4  }
0x21f: {  	v4 =	vld.idx.msk [tilespmem:v5+s4+$0x0], $0xffff;
	_ =	sdelay $0x1  }
0x220: {  	v5 =	vadd.s32 $0x1000, v2;
	_ =	sdelay $0x3  }
0x221: {  	[tilespmem:s0+$0x17D00] =	vst v4  }
0x222: {  	v4 =	vld.idx.msk [tilespmem:v5+s4+$0x0], $0xffff;
	_ =	sdelay $0x1  }
0x223: {  	v5 =	vadd.s32 $0x1000, v3;
	_ =	sdelay $0x3  }
0x224: {  	[tilespmem:s0+$0x17200] =	vst v4  }
0x225: {  	v4 =	vld.idx.msk [tilespmem:v5+s4+$0x0], $0xffff;
	_ =	sdelay $0x1  }
0x226: {  	v5 =	vadd.s32 $0x1400, v2;
	_ =	sdelay $0x3  }
0x227: {  	[tilespmem:s0+$0x17E00] =	vst v4  }
0x228: {  	v4 =	vld.idx.msk [tilespmem:v5+s4+$0x0], $0xffff;
	_ =	sdelay $0x1  }
0x229: {  	v5 =	vadd.s32 $0x1400, v3;
	_ =	sdelay $0x3  }
0x22a: {  	[tilespmem:s0+$0x17300] =	vst v4  }
0x22b: {  	v4 =	vld.idx.msk [tilespmem:v5+s4+$0x0], $0xffff;
	_ =	sdelay $0x1  }
0x22c: {  	v5 =	vadd.s32 $0x1800, v2;
	_ =	sdelay $0x3  }
0x22d: {  	[tilespmem:s0+$0x17F00] =	vst v4  }
0x22e: {  	v4 =	vld.idx.msk [tilespmem:v5+s4+$0x0], $0xffff;
	_ =	sdelay $0x1  }
0x22f: {  	v5 =	vadd.s32 $0x1800, v3;
	_ =	sdelay $0x3  }
0x230: {  	[tilespmem:s0+$0x17400] =	vst v4  }
0x231: {  	v4 =	vld.idx.msk [tilespmem:v5+s4+$0x0], $0xffff;
	_ =	sdelay $0x1  }
0x232: {  	v5 =	vadd.s32 $0x1C00, v2;
	_ =	sdelay $0x3  }
0x233: {  	[tilespmem:s0+$0x18000] =	vst v4  }
0x234: {  	v4 =	vld.idx.msk [tilespmem:v5+s4+$0x0], $0xffff;
	_ =	sdelay $0x1  }
0x235: {  	v5 =	vadd.s32 $0x1C00, v3;
	_ =	sdelay $0x3  }
0x236: {  	[tilespmem:s0+$0x17500] =	vst v4  }
0x237: {  	v4 =	vld.idx.msk [tilespmem:v5+s4+$0x0], $0xffff;
	_ =	sdelay $0x1  }
0x238: {  	v5 =	vadd.s32 $0x2000, v2;
	_ =	sdelay $0x3  }
0x239: {  	[tilespmem:s0+$0x18100] =	vst v4  }
0x23a: {  	v4 =	vld.idx.msk [tilespmem:v5+s4+$0x0], $0xffff;
	_ =	sdelay $0x1  }
0x23b: {  	v5 =	vadd.s32 $0x2000, v3;
	_ =	sdelay $0x3  }
0x23c: {  	[tilespmem:s0+$0x17600] =	vst v4  }
0x23d: {  	v4 =	vld.idx.msk [tilespmem:v5+s4+$0x0], $0xffff;
	_ =	sdelay $0x1  }
0x23e: {  	v5 =	vadd.s32 $0x2400, v2;
	_ =	sdelay $0x3  }
0x23f: {  	[tilespmem:s0+$0x18200] =	vst v4  }
0x240: {  	v4 =	vld.idx.msk [tilespmem:v5+s4+$0x0], $0xffff;
	_ =	sdelay $0x1  }
0x241: {  	v5 =	vadd.s32 $0x2400, v3;
	_ =	sdelay $0x3  }
0x242: {  	[tilespmem:s0+$0x17700] =	vst v4  }
0x243: {  	v4 =	vld.idx.msk [tilespmem:v5+s4+$0x0], $0xffff;
	_ =	sdelay $0x1  }
0x244: {  	v5 =	vadd.s32 $0x2800, v2;
	_ =	sdelay $0x3  }
0x245: {  	[tilespmem:s0+$0x18300] =	vst v4  }
0x246: {  	v4 =	vld.idx.msk [tilespmem:v5+s4+$0x0], $0xffff;
	_ =	sdelay $0x1  }
0x247: {  	v5 =	vadd.s32 $0x2800, v3;
	_ =	sdelay $0x3  }
0x248: {  	[tilespmem:s0+$0x17800] =	vst v4  }
0x249: {  	v4 =	vld.idx.msk [tilespmem:v5+s4+$0x0], $0xffff;
	_ =	sdelay $0x1  }
0x24a: {  	v2 =	vadd.s32 $0x2C00, v2;
	_ =	sdelay $0x3  }
0x24b: {  	[tilespmem:s0+$0x18400] =	vst v4  }
0x24c: {  	v4 =	vld.idx.msk [tilespmem:v2+s4+$0x0], $0xffff  }
.Ltmp7:
0x24d: {  	(pc) =	sbr.rel @p0 .LBB2_16-.Ltmp7, $2  }
0x24e: {  	v3 =	vadd.s32 $0x2C00, v3;
	_ =	sdelay $0x2  }
0x24f: {  	s7 =	sshra.s32 s2, $0x2;
	s2 =	sadd.s32 $0x40, s2  }
0x250: {  	_ =	sdelay $0x1  }
0x251: {  	v2 =	vld [tilespmem:s7+$0x16C00]  }
0x252: {  	[tilespmem:s0+$0x17900] =	vst v4  }
0x253: {  	v3 =	vld.idx.msk [tilespmem:v3+s4+$0x0], $0xffff;
	_ =	sdelay $0x3  }
0x254: {  	v4 =	vld [tilespmem:s7+$0x16D00]  }
0x255: {  	[tilespmem:s0+$0x18500] =	vst v3  }
0x256: {  	v3 =	vld.idx.msk [tilespmem:v2+s4+$0x0], $0xffff;
	_ =	sdelay $0x4  }
0x257: {  	[tilespmem:s7+$0x16E00] =	vst v3  }
0x258: {  	v3 =	vld.idx.msk [tilespmem:v4+s4+$0x0], $0xffff  }
0x259: {  	v5 =	vadd.s32 $0x400, v2;
	_ =	sdelay $0x3  }
0x25a: {  	[tilespmem:s7+$0x17A00] =	vst v3  }
0x25b: {  	v3 =	vld.idx.msk [tilespmem:v5+s4+$0x0], $0xffff  }
0x25c: {  	v45 =	vadd.s32 $0x400, v4;
	_ =	sdelay $0x3  }
0x25d: {  	[tilespmem:s7+$0x16F00] =	vst v3  }
0x25e: {  	v3 =	vld.idx.msk [tilespmem:v45+s4+$0x0], $0xffff  }
0x25f: {  	v46 =	vadd.s32 $0x800, v2;
	_ =	sdelay $0x3  }
0x260: {  	[tilespmem:s7+$0x17B00] =	vst v3  }
0x261: {  	v3 =	vld.idx.msk [tilespmem:v46+s4+$0x0], $0xffff  }
0x262: {  	v47 =	vadd.s32 $0x800, v4;
	_ =	sdelay $0x3  }
0x263: {  	[tilespmem:s7+$0x17000] =	vst v3  }
0x264: {  	v3 =	vld.idx.msk [tilespmem:v47+s4+$0x0], $0xffff  }
0x265: {  	v48 =	vadd.s32 $0xC00, v2;
	_ =	sdelay $0x3  }
0x266: {  	[tilespmem:s7+$0x17C00] =	vst v3  }
0x267: {  	v3 =	vld.idx.msk [tilespmem:v48+s4+$0x0], $0xffff  }
0x268: {  	v49 =	vadd.s32 $0xC00, v4;
	_ =	sdelay $0x3  }
0x269: {  	[tilespmem:s7+$0x17100] =	vst v3  }
0x26a: {  	v3 =	vld.idx.msk [tilespmem:v49+s4+$0x0], $0xffff  }
0x26b: {  	v50 =	vadd.s32 $0x1000, v2;
	_ =	sdelay $0x3  }
0x26c: {  	[tilespmem:s7+$0x17D00] =	vst v3  }
0x26d: {  	v3 =	vld.idx.msk [tilespmem:v50+s4+$0x0], $0xffff  }
0x26e: {  	v51 =	vadd.s32 $0x1000, v4;
	_ =	sdelay $0x3  }
0x26f: {  	[tilespmem:s7+$0x17200] =	vst v3  }
0x270: {  	v3 =	vld.idx.msk [tilespmem:v51+s4+$0x0], $0xffff  }
0x271: {  	v52 =	vadd.s32 $0x1400, v2;
	_ =	sdelay $0x3  }
0x272: {  	[tilespmem:s7+$0x17E00] =	vst v3  }
0x273: {  	v3 =	vld.idx.msk [tilespmem:v52+s4+$0x0], $0xffff  }
0x274: {  	v53 =	vadd.s32 $0x1400, v4;
	_ =	sdelay $0x3  }
0x275: {  	[tilespmem:s7+$0x17300] =	vst v3  }
0x276: {  	v3 =	vld.idx.msk [tilespmem:v53+s4+$0x0], $0xffff  }
0x277: {  	v54 =	vadd.s32 $0x1800, v2;
	_ =	sdelay $0x3  }
0x278: {  	[tilespmem:s7+$0x17F00] =	vst v3  }
0x279: {  	v3 =	vld.idx.msk [tilespmem:v54+s4+$0x0], $0xffff  }
0x27a: {  	v55 =	vadd.s32 $0x1800, v4;
	_ =	sdelay $0x3  }
0x27b: {  	[tilespmem:s7+$0x17400] =	vst v3  }
0x27c: {  	v3 =	vld.idx.msk [tilespmem:v55+s4+$0x0], $0xffff  }
0x27d: {  	v56 =	vadd.s32 $0x1C00, v2;
	_ =	sdelay $0x3  }
0x27e: {  	[tilespmem:s7+$0x18000] =	vst v3  }
0x27f: {  	v3 =	vld.idx.msk [tilespmem:v56+s4+$0x0], $0xffff  }
0x280: {  	v57 =	vadd.s32 $0x1C00, v4;
	_ =	sdelay $0x3  }
0x281: {  	[tilespmem:s7+$0x17500] =	vst v3  }
0x282: {  	v3 =	vld.idx.msk [tilespmem:v57+s4+$0x0], $0xffff  }
0x283: {  	v58 =	vadd.s32 $0x2000, v2;
	_ =	sdelay $0x3  }
0x284: {  	[tilespmem:s7+$0x18100] =	vst v3  }
0x285: {  	v3 =	vld.idx.msk [tilespmem:v58+s4+$0x0], $0xffff  }
0x286: {  	v59 =	vadd.s32 $0x2000, v4;
	_ =	sdelay $0x3  }
0x287: {  	[tilespmem:s7+$0x17600] =	vst v3  }
0x288: {  	v3 =	vld.idx.msk [tilespmem:v59+s4+$0x0], $0xffff  }
0x289: {  	v60 =	vadd.s32 $0x2400, v2;
	_ =	sdelay $0x3  }
0x28a: {  	[tilespmem:s7+$0x18200] =	vst v3  }
0x28b: {  	v3 =	vld.idx.msk [tilespmem:v60+s4+$0x0], $0xffff  }
0x28c: {  	v61 =	vadd.s32 $0x2400, v4;
	_ =	sdelay $0x3  }
0x28d: {  	[tilespmem:s7+$0x17700] =	vst v3  }
0x28e: {  	v3 =	vld.idx.msk [tilespmem:v61+s4+$0x0], $0xffff  }
0x28f: {  	v62 =	vadd.s32 $0x2800, v2;
	_ =	sdelay $0x3  }
0x290: {  	[tilespmem:s7+$0x18300] =	vst v3  }
0x291: {  	v3 =	vld.idx.msk [tilespmem:v62+s4+$0x0], $0xffff  }
0x292: {  	v63 =	vadd.s32 $0x2800, v4;
	_ =	sdelay $0x3  }
0x293: {  	[tilespmem:s7+$0x17800] =	vst v3  }
0x294: {  	v3 =	vld.idx.msk [tilespmem:v63+s4+$0x0], $0xffff  }
0x295: {  	v2 =	vadd.s32 $0x2C00, v2;
	_ =	sdelay $0x3  }
0x296: {  	[tilespmem:s7+$0x18400] =	vst v3  }
0x297: {  	v2 =	vld.idx.msk [tilespmem:v2+s4+$0x0], $0xffff  }
0x298: {  	v3 =	vadd.s32 $0x2C00, v4;
	_ =	sdelay $0x3  }
0x299: {  	[tilespmem:s7+$0x17900] =	vst v2  }
0x29a: {  	v2 =	vld.idx.msk [tilespmem:v3+s4+$0x0], $0xffff;
	_ =	sdelay $0x4  }
0x29b: {  	s26 =	rddreg [dreg:$0x1e];
	s1 =	simm.s32 $0x16E00;
	[tilespmem:s7+$0x18500] =	vst v2  }
0x29c: {  	[hbm4b:s26+s4] =	stream.linear.scatter [tilespmem:s1], [sflag:$0x3], $0xC00, $0x38;
	[tilespmem:$0x18600] =	vst v63  }
0x29d: {  	_ =	swait.ge [sflag:s3], $0xC00  }
0x29e: {  	[sflag:s3] =	ssyncset.done $0x0  }
0x29f: {  	s29 =	simm.s32 $0x17A00;
	s28 =	rddreg [dreg:$0x1f];
	[sflag:s3] =	ssyncadd.s32 $0xFFFFF400  }
0x2a0: {  	[hbm4b:s28+s4] =	stream.linear.scatter [tilespmem:s29], [sflag:$0x3], $0xC00, $0x38;
	[tilespmem:$0x18600] =	vst v63  }
0x2a1: {  	_ =	swait.ge [sflag:s3], $0xC00  }
0x2a2: {  	s30 =	sld [smem:$0x7FC]  }
0x2a3: {  	s31 =	sld [smem:$0x7FD];
	_ =	sdelay $0x1  }
0x2a4: {  	s1 =	sadd.s32 $0x1, s30  }
0x2a5: {  	p0 =	sne.s32 s1, s31  }
.Ltmp8:
0x2a6: {  	_ = 	snop;
	(pc) =	sbr.rel @p0 .LBB2_1-.Ltmp8, $3  }
0x2a7: {  	_ =	sdelay $0x1  }
0x2a8: {  	[sflag:s3] =	ssyncset.done $0x0  }
0x2a9: {  	[sflag:s3] =	ssyncadd.s32 $0xFFFFF400  }
0x2aa: {  	_ =	sfence.sel $0x180000  }
0x2ab: {  	[bflag:$0x0] =	sbarrier.arrive $0xFFFF  }
0x2ac: {  	_ =	strace $0x90000047  }
0x2ad: {  	s0 =	stileid.u32;
	[bflag:$0x2] =	sbarrier.arrive $0xFFFF  }
0x2ae: {  	p0 =	sne.s32 s0, $0x0;
	s0 =	rddreg [dreg:$0x5]  }
0x2af: {  	s0 =	sadd.s32 @!p0 $0x100000, s0  }
0x2b0: {  	[sflag:s0] =	ssyncadd.tile.s32 @!p0 $0x1;
	_ =	shalt  }
.Lfunc_end2:
_tile_overlayer_lowered:
.L_overlay_start_2:
0x2b1: {  	(tag) =	ssettag $0x2  }
0x2b2: {  	s0 =	rddreg [dreg:$0x0];
	s2 =	stileid.u32  }
0x2b3: {  	s1 =	rddreg [dreg:$0x1];
	p0 =	sne.s32 s2, $0x0  }
0x2b4: {  	s3 =	rddreg [dreg:$0x2];
	[bflag:$0x3] =	sbarrier.arrive $0xFFFF;
	s2 =	simm.s32 @!p0 $0x1C03  }
0x2b5: {  	[timem:s3], [sflag:s2] =	dma.local @!p0 [hbm:s0], s1  }
0x2b6: {  	s0 =	simm.s32 @!p0 $0x3  }
0x2b7: {  	_ =	swait.ge @!p0 [sflag:s0], s1  }
0x2b8: {  	s1 =	ssub.s32 @!p0 $0x0, s1;
	[sflag:s0] =	ssyncset.done @!p0 $0x0  }
0x2b9: {  	[sflag:s0] =	ssyncadd.s32 @!p0 s1  }
0x2ba: {  	[bflag:$0x3] =	sbarrier.arrive $0xFFFF  }
0x2bb: {  	_ =	shalt  }

</sc_bundles>
